<compile_context>
chip_gen: v7x
topology: tpu7x:2x2x1
jax: 0.10.2.dev20260603
libtpu: 0.0.44.dev20260713+nightly
codegen_flags: <defaults>
</compile_context>

<pallas_src>
import functools

import jax
import jax.numpy as jnp
from jax import lax
from jax.experimental import pallas as pl
from jax.experimental.pallas import tpu as pltpu
from jax.experimental.pallas import tpu_sc as plsc

BLK = 1024
MP = 2560
EW = 128


def _prep(masks, scop, labp, n, m, npad, nb):
    qw = MP // 4

    def cell(m_ref, s_blk_ref, s_all_ref, lab_blk_ref,
             w_ref, rank_ref, ex_ref):
        bi = pl.program_id(0)
        x = m_ref[...].astype(jnp.int32)
        rglob = bi * BLK + jax.lax.broadcasted_iota(jnp.int32, (BLK, MP), 0)
        cglob = jax.lax.broadcasted_iota(jnp.int32, (BLK, MP), 1)
        x = jnp.where((rglob < n) & (cglob < m), x, 0)
        w_ref[...] = (x[:, 0:qw]
                      | (x[:, qw:2 * qw] << 8)
                      | (x[:, 2 * qw:3 * qw] << 16)
                      | (x[:, 3 * qw:4 * qw] << 24))

        si = s_blk_ref[0, 0, :][:, None]
        sall = s_all_ref[...]
        jglob = jax.lax.broadcasted_iota(jnp.int32, (BLK, npad), 1)
        iglob = bi * BLK + jax.lax.broadcasted_iota(
            jnp.int32, (BLK, npad), 0)
        first = (sall > si) | ((sall == si) & (jglob < iglob))
        rank_ref[0, 0, :] = jnp.sum(first.astype(jnp.int32), axis=1)

        lane = jax.lax.broadcasted_iota(jnp.int32, (BLK, EW), 1)
        row_i = (bi * BLK
                 + jax.lax.broadcasted_iota(jnp.int32, (BLK, EW), 0)
                 ).astype(jnp.float32)
        labc = lab_blk_ref[0, 0, :][:, None]
        ex = jnp.where(lane == 0, si, 0.0)
        ex = jnp.where(lane == 1, labc, ex)
        ex_ref[...] = jnp.where(lane == 2, row_i, ex)

    return pl.pallas_call(
        cell,
        grid=(nb,),
        in_specs=[
            pl.BlockSpec((BLK, MP), lambda i: (i, 0)),
            pl.BlockSpec((1, 1, BLK), lambda i: (i, 0, 0)),
            pl.BlockSpec((1, npad), lambda i: (0, 0)),
            pl.BlockSpec((1, 1, BLK), lambda i: (i, 0, 0)),
        ],
        out_specs=[
            pl.BlockSpec((BLK, qw), lambda i: (i, 0)),
            pl.BlockSpec((1, 1, BLK), lambda i: (i, 0, 0)),
            pl.BlockSpec((BLK, EW), lambda i: (i, 0)),
        ],
        out_shape=[
            jax.ShapeDtypeStruct((npad, qw), jnp.int32),
            jax.ShapeDtypeStruct((nb, 1, BLK), jnp.int32),
            jax.ShapeDtypeStruct((npad, EW), jnp.float32),
        ],
        compiler_params=pltpu.CompilerParams(
            dimension_semantics=("arbitrary",)),
    )(masks, scop.reshape(nb, 1, BLK), scop.reshape(1, npad),
      labp.reshape(nb, 1, BLK))


def _unpack_cell(w_ref, o_ref, arow_ref, acol_ref):
    w = w_ref[...]
    planes = [((w >> (8 * k)) & 1).astype(jnp.int8) for k in range(4)]
    o_ref[...] = jnp.concatenate(planes, axis=1)
    area = sum(jnp.sum((w >> (8 * k)) & 1, axis=1) for k in range(4))
    arow_ref[0, 0, :] = area
    acol_ref[...] = jnp.broadcast_to(area[:, None], (BLK, 8))


def _unpack(smw, npad, nb):
    return pl.pallas_call(
        _unpack_cell,
        grid=(nb,),
        in_specs=[pl.BlockSpec((BLK, MP // 4), lambda i: (i, 0))],
        out_specs=[
            pl.BlockSpec((BLK, MP), lambda i: (i, 0)),
            pl.BlockSpec((1, 1, BLK), lambda i: (i, 0, 0)),
            pl.BlockSpec((BLK, 8), lambda i: (i, 0)),
        ],
        out_shape=[
            jax.ShapeDtypeStruct((npad, MP), jnp.int8),
            jax.ShapeDtypeStruct((nb, 1, BLK), jnp.int32),
            jax.ShapeDtypeStruct((npad, 8), jnp.int32),
        ],
        compiler_params=pltpu.CompilerParams(
            dimension_semantics=("arbitrary",)),
    )(smw)


def _sc_sort_scatter(mask_words, extras, rank, npad):
    info = plsc.get_sparse_core_info()
    nw = info.num_cores * info.num_subcores
    rows_per_w = npad // nw
    chunk = 80
    nchunk = rows_per_w // chunk
    mw = mask_words.shape[1]
    ew = extras.shape[1]
    mesh = plsc.VectorSubcoreMesh(core_axis_name="c", subcore_axis_name="s")

    @functools.partial(
        pl.kernel, mesh=mesh,
        out_type=[
            jax.ShapeDtypeStruct((npad, mw), jnp.int32),
            jax.ShapeDtypeStruct((npad, ew), jnp.float32),
        ],
        scratch_types=[
            pltpu.VMEM((chunk,), jnp.int32),
            pltpu.VMEM((chunk, mw), jnp.int32),
            pltpu.VMEM((chunk, ew), jnp.float32),
            pltpu.SemaphoreType.DMA,
        ],
    )
    def scatter_k(mask_hbm, ex_hbm, rank_hbm, omask_hbm, oex_hbm,
                  idx_v, mrows_v, erows_v, sem):
        wid = lax.axis_index("s") * info.num_cores + lax.axis_index("c")
        for c in range(nchunk):
            base = wid * rows_per_w + c * chunk
            pltpu.sync_copy(rank_hbm.at[pl.ds(base, chunk)], idx_v)
            pltpu.sync_copy(mask_hbm.at[pl.ds(base, chunk)], mrows_v)
            pltpu.sync_copy(ex_hbm.at[pl.ds(base, chunk)], erows_v)
            cp1 = pltpu.async_copy(mrows_v, omask_hbm.at[idx_v], sem)
            cp2 = pltpu.async_copy(erows_v, oex_hbm.at[idx_v], sem)
            cp1.wait()
            cp2.wait()

    return scatter_k(mask_words, extras, rank)


def _nms_cell(labA_ref, labB_ref, scoB_ref, aA_ref, aB_ref, a_ref, b_ref,
              keep_out, ks_out, keep_scr, sup_ref, s_ref, kl_ref):
    bi = pl.program_id(0)
    bj = pl.program_id(1)

    @pl.when(bj == 0)
    def _init():
        sup_ref[...] = jnp.zeros_like(sup_ref)

    @pl.when(bj <= bi)
    def _work():
        A = a_ref[...]
        B = b_ref[...]
        inter = jax.lax.dot_general(
            A, B, dimension_numbers=(((1,), (1,)), ((), ())),
            preferred_element_type=jnp.int32)
        areaA = aA_ref[...][:, 0:1]
        areaB = aB_ref[0, ...]
        labA = labA_ref[0, 0, :]
        labB = labB_ref[0, 0, :]
        cond = (3 * inter > areaA + areaB) \
            & (labA[:, None] == labB[None, :])
        condf = cond.astype(jnp.bfloat16)

        @pl.when(bj < bi)
        def _offdiag():
            kb = keep_scr[pl.ds(bj, 1), :].astype(jnp.bfloat16)
            contrib = jax.lax.dot_general(
                kb, condf, dimension_numbers=(((1,), (0,)), ((), ())),
                preferred_element_type=jnp.float32)
            sup_ref[...] = sup_ref[...] + contrib

        @pl.when(bj == bi)
        def _diag():
            ii = jax.lax.broadcasted_iota(jnp.int32, (BLK, BLK), 0)
            jj = jax.lax.broadcasted_iota(jnp.int32, (BLK, BLK), 1)
            Sf = condf.astype(jnp.float32) * (jj > ii).astype(jnp.float32)
            s_ref[...] = Sf
            kl_ref[...] = (sup_ref[...] == 0.0).astype(jnp.float32)

            @pl.when(jnp.max(Sf) > 0.0)
            def _serial():
                lane = jax.lax.broadcasted_iota(jnp.int32, (1, BLK), 1)

                def body(i, carry):
                    kl = kl_ref[...]
                    ki = jnp.sum(jnp.where(lane == i, kl, 0.0))
                    srow = s_ref[pl.ds(i, 1), :]
                    kl_ref[...] = kl * (1.0 - srow * ki)
                    return carry

                jax.lax.fori_loop(0, BLK, body, 0)

            kl = kl_ref[...]
            keep_scr[pl.ds(bi, 1), :] = kl
            keep_out[0, ...] = kl
            ks_out[0, ...] = kl * scoB_ref[0, ...]


def _run_nms(msp, arow, acol, labp, scop, nb):
    grid = (nb, nb)
    out_shape = [
        jax.ShapeDtypeStruct((nb, 1, BLK), jnp.float32),
        jax.ShapeDtypeStruct((nb, 1, BLK), jnp.float32),
    ]
    keep_f, ks = pl.pallas_call(
        _nms_cell,
        grid=grid,
        in_specs=[
            pl.BlockSpec((1, 1, BLK), lambda i, j: (jnp.minimum(i, j), 0, 0)),
            pl.BlockSpec((1, 1, BLK), lambda i, j: (i, 0, 0)),
            pl.BlockSpec((1, 1, BLK), lambda i, j: (i, 0, 0)),
            pl.BlockSpec((BLK, 8), lambda i, j: (jnp.minimum(i, j), 0)),
            pl.BlockSpec((1, 1, BLK), lambda i, j: (i, 0, 0)),
            pl.BlockSpec((BLK, MP), lambda i, j: (jnp.minimum(i, j), 0)),
            pl.BlockSpec((BLK, MP), lambda i, j: (i, 0)),
        ],
        out_specs=[
            pl.BlockSpec((1, 1, BLK), lambda i, j: (i, 0, 0)),
            pl.BlockSpec((1, 1, BLK), lambda i, j: (i, 0, 0)),
        ],
        out_shape=out_shape,
        scratch_shapes=[
            pltpu.VMEM((nb, BLK), jnp.float32),
            pltpu.VMEM((1, BLK), jnp.float32),
            pltpu.VMEM((BLK, BLK), jnp.float32),
            pltpu.VMEM((1, BLK), jnp.float32),
        ],
        compiler_params=pltpu.CompilerParams(
            dimension_semantics=("arbitrary", "arbitrary")),
    )(labp, labp, scop, acol, arow, msp, msp)
    return keep_f, ks


def kernel(bev_masks, scores, labels):
    n, m = bev_masks.shape
    nb = (n + BLK - 1) // BLK
    npad = nb * BLK

    scop = jnp.full((npad,), -1.0, jnp.float32).at[:n].set(scores)
    labp = jnp.full((npad,), -1.0, jnp.float32).at[:n].set(
        labels.astype(jnp.float32))

    mwords, rank, extras = _prep(bev_masks, scop, labp, n, m, npad, nb)

    smw, sex = _sc_sort_scatter(mwords, extras, rank.reshape(npad), npad)

    msp, arow, acol = _unpack(smw, npad, nb)

    scos = sex[:, 0]
    labs = sex[:, 1].astype(jnp.int32)
    order = sex[:n, 2].astype(jnp.int32)

    keep_f, ks = _run_nms(msp, arow, acol, labs.reshape(nb, 1, BLK),
                          scos.reshape(nb, 1, BLK), nb)

    keep = keep_f.reshape(npad)[:n] > 0.5
    kept_scores = ks.reshape(npad)[:n]
    return order, keep, kept_scores

# --- scband reference (transcript-rebuilt; emitter-appended) ---
"""Pipeline reference for scband-frustum-proposer-og-29025388987108 (READ-ONLY COPY).

The authoritative reference and input builder live on the scoring server;
editing this copy changes nothing except your own understanding.
"""

import jax, jax.numpy as jnp
import numpy as np

N = 5000   # number of frustum proposals (nms_detection pool, N=5000)
M = 2500   # BEV occupancy mask size = x_size * y_size = 50 * 50 from module config
NUM_LABELS = 10  # number of anchor classes in the module
NMS_THRESH = 0.5


def setup_inputs(seed: int = 0) -> dict:
    key = jax.random.key(seed)
    k1, k2, k3 = jax.random.split(key, 3)
    bev_masks = jax.random.randint(k1, (N, M), 0, 2).astype(jnp.bool_)
    scores = jax.random.uniform(k2, (N,), dtype=jnp.float32)
    labels = jax.random.randint(k3, (N,), 0, NUM_LABELS)
    return {"bev_masks": bev_masks, "scores": scores, "labels": labels}


def reference(bev_masks, scores, labels):
    # Faithful jax translation of FrustumProposerOG.frustum_bev_nms:
    # greedy score-ordered NMS where overlap is the IoU of boolean BEV
    # occupancy masks, and suppression only applies within the same label.
    n = bev_masks.shape[0]
    m = bev_masks.astype(jnp.float32)
    area = m.sum(axis=-1)                      # |A|
    inter = m @ m.T                            # |A & B| (bitwise_and(...).sum())
    union = area[:, None] + area[None, :] - inter  # |A | B| (bitwise_or(...).sum())
    iou = inter / (union + 1e-08)

    order = jnp.argsort(-scores)               # torch.argsort(-batch_scores)
    iou_o = iou[order][:, order]
    labels_o = labels[order]
    same_label = labels_o[:, None] == labels_o[None, :]
    idx = jnp.arange(n)
    upper = idx[None, :] > idx[:, None]        # only j > i in the inner loop
    suppress_mat = (iou_o > NMS_THRESH) & same_label & upper

    def body(i, keep):
        # if keep[i]: suppress every later j with high BEV IoU and same label
        sup = jnp.where(keep[i], suppress_mat[i], jnp.zeros((n,), dtype=jnp.bool_))
        return keep & (~sup)

    keep = jax.lax.fori_loop(0, n, body, jnp.ones((n,), dtype=jnp.bool_))

    # kept proposal indices are order[keep]; emit a dense representation:
    # surviving scores in score order (zeros where suppressed), plus order/keep.
    kept_scores = jnp.where(keep, scores[order], 0.0)
    return order, keep, kept_scores


if False:  # reference __main__ guard neutralized (emitter)
    out = reference(**setup_inputs())
    print(out[0].shape, out[1].sum(), out[2].shape)

if __name__ == "__main__":
    import jax
    _d = setup_inputs()
    print(jax.jit(kernel)(*tuple(_d.values())))

</pallas_src>

<mosaic_0001>
#map = affine_map<(d0, d1) -> (0, 0)>
#map1 = affine_map<(d0, d1) -> (0)>
module attributes {stable_mosaic.version = 14 : i64} {
  func.func @scatter_k(%arg0: i32, %arg1: i32, %arg2: memref<5120x640xi32, #tpu.memory_space<hbm>>, %arg3: memref<5120x128xf32, #tpu.memory_space<hbm>>, %arg4: memref<5120xi32, #tpu.memory_space<hbm>>, %arg5: memref<5120x640xi32, #tpu.memory_space<hbm>>, %arg6: memref<5120x128xf32, #tpu.memory_space<hbm>>, %arg7: memref<80xi32, #tpu.memory_space<vmem>>, %arg8: memref<80x640xi32, #tpu.memory_space<vmem>>, %arg9: memref<80x128xf32, #tpu.memory_space<vmem>>, %arg10: memref<!tpu.dma_semaphore, #tpu.memory_space<semaphore_mem>>) attributes {dimension_semantics = [#tpu.dimension_semantics<core_parallel>, #tpu.dimension_semantics<subcore_parallel>], iteration_bounds = array<i64: 2, 16>, scalar_prefetch = 0 : i64, scratch_operands = 4 : i64, tpu.core_type = #tpu.core_type<sc_vector_subcore>, window_params = [{transform_indices = #map}, {transform_indices = #map}, {transform_indices = #map1}, {transform_indices = #map}, {transform_indices = #map}]} {
    %mul3A = arith.constant 2 : i32
    %mul3A_0 = arith.muli %arg1, %mul3A : i32
    %add3A = arith.addi %mul3A_0, %arg0 : i32
    %mul3A_1 = arith.constant 160 : i32
    %mul3A_2 = arith.muli %add3A, %mul3A_1 : i32
    %add3A_3 = arith.constant 0 : i32
    %add3A_4 = arith.addi %mul3A_2, %add3A_3 : i32
    "tpu.region"() ({
      %run_scoped3A = tpu.sem_alloc : memref<!tpu.dma_semaphore, #tpu.memory_space<semaphore_mem>>
      %dma_start3A_31 = tpu.memref_slice %arg4[%add3A_4] : memref<5120xi32, #tpu.memory_space<hbm>> -> memref<80xi32, #tpu.memory_space<hbm>>
      %dma_start3A_32 = tpu.memref_slice %arg4[%add3A_4] : memref<5120xi32, #tpu.memory_space<hbm>> -> memref<80xi32, #tpu.memory_space<hbm>>
      tpu.enqueue_dma source(%dma_start3A_32 : memref<80xi32, #tpu.memory_space<hbm>>) target(%arg7 : memref<80xi32, #tpu.memory_space<vmem>>) target_semaphore(%run_scoped3A : memref<!tpu.dma_semaphore, #tpu.memory_space<semaphore_mem>>)
      %dma_wait3A_33 = tpu.memref_slice %arg4[%add3A_4] : memref<5120xi32, #tpu.memory_space<hbm>> -> memref<80xi32, #tpu.memory_space<hbm>>
      %dma_wait3A_34 = tpu.memref_slice %arg4[%add3A_4] : memref<5120xi32, #tpu.memory_space<hbm>> -> memref<80xi32, #tpu.memory_space<hbm>>
      tpu.wait_dma2 semaphore(%run_scoped3A : memref<!tpu.dma_semaphore, #tpu.memory_space<semaphore_mem>>) src(%dma_wait3A_34 : memref<80xi32, #tpu.memory_space<hbm>>) dst(%arg7 : memref<80xi32, #tpu.memory_space<vmem>>)
      tpu.yield
    }) : () -> ()
    "tpu.region"() ({
      %run_scoped3A = tpu.sem_alloc : memref<!tpu.dma_semaphore, #tpu.memory_space<semaphore_mem>>
      %dma_start3A_31 = arith.constant 0 : i32
      %dma_start3A_32 = tpu.memref_slice %arg2[%add3A_4, %dma_start3A_31] : memref<5120x640xi32, #tpu.memory_space<hbm>> -> memref<80x640xi32, #tpu.memory_space<hbm>>
      %dma_start3A_33 = arith.constant 0 : i32
      %dma_start3A_34 = tpu.memref_slice %arg2[%add3A_4, %dma_start3A_33] : memref<5120x640xi32, #tpu.memory_space<hbm>> -> memref<80x640xi32, #tpu.memory_space<hbm>>
      tpu.enqueue_dma source(%dma_start3A_34 : memref<80x640xi32, #tpu.memory_space<hbm>>) target(%arg8 : memref<80x640xi32, #tpu.memory_space<vmem>>) target_semaphore(%run_scoped3A : memref<!tpu.dma_semaphore, #tpu.memory_space<semaphore_mem>>)
      %dma_wait3A_35 = arith.constant 0 : i32
      %dma_wait3A_36 = tpu.memref_slice %arg2[%add3A_4, %dma_wait3A_35] : memref<5120x640xi32, #tpu.memory_space<hbm>> -> memref<80x640xi32, #tpu.memory_space<hbm>>
      %dma_wait3A_37 = arith.constant 0 : i32
      %dma_wait3A_38 = tpu.memref_slice %arg2[%add3A_4, %dma_wait3A_37] : memref<5120x640xi32, #tpu.memory_space<hbm>> -> memref<80x640xi32, #tpu.memory_space<hbm>>
      tpu.wait_dma2 semaphore(%run_scoped3A : memref<!tpu.dma_semaphore, #tpu.memory_space<semaphore_mem>>) src(%dma_wait3A_38 : memref<80x640xi32, #tpu.memory_space<hbm>>) dst(%arg8 : memref<80x640xi32, #tpu.memory_space<vmem>>)
      tpu.yield
    }) : () -> ()
    "tpu.region"() ({
      %run_scoped3A = tpu.sem_alloc : memref<!tpu.dma_semaphore, #tpu.memory_space<semaphore_mem>>
      %dma_start3A_31 = arith.constant 0 : i32
      %dma_start3A_32 = tpu.memref_slice %arg3[%add3A_4, %dma_start3A_31] : memref<5120x128xf32, #tpu.memory_space<hbm>> -> memref<80x128xf32, #tpu.memory_space<hbm>>
      %dma_start3A_33 = arith.constant 0 : i32
      %dma_start3A_34 = tpu.memref_slice %arg3[%add3A_4, %dma_start3A_33] : memref<5120x128xf32, #tpu.memory_space<hbm>> -> memref<80x128xf32, #tpu.memory_space<hbm>>
      tpu.enqueue_dma source(%dma_start3A_34 : memref<80x128xf32, #tpu.memory_space<hbm>>) target(%arg9 : memref<80x128xf32, #tpu.memory_space<vmem>>) target_semaphore(%run_scoped3A : memref<!tpu.dma_semaphore, #tpu.memory_space<semaphore_mem>>)
      %dma_wait3A_35 = arith.constant 0 : i32
      %dma_wait3A_36 = tpu.memref_slice %arg3[%add3A_4, %dma_wait3A_35] : memref<5120x128xf32, #tpu.memory_space<hbm>> -> memref<80x128xf32, #tpu.memory_space<hbm>>
      %dma_wait3A_37 = arith.constant 0 : i32
      %dma_wait3A_38 = tpu.memref_slice %arg3[%add3A_4, %dma_wait3A_37] : memref<5120x128xf32, #tpu.memory_space<hbm>> -> memref<80x128xf32, #tpu.memory_space<hbm>>
      tpu.wait_dma2 semaphore(%run_scoped3A : memref<!tpu.dma_semaphore, #tpu.memory_space<semaphore_mem>>) src(%dma_wait3A_38 : memref<80x128xf32, #tpu.memory_space<hbm>>) dst(%arg9 : memref<80x128xf32, #tpu.memory_space<vmem>>)
      tpu.yield
    }) : () -> ()
    %dma_start3A = arith.constant 0 : i32
    %dma_start3A_5 = arith.constant 0 : i32
    %dma_start3A_6 = tpu.memref_slice %arg5[%dma_start3A, %dma_start3A_5] : memref<5120x640xi32, #tpu.memory_space<hbm>> -> memref<5120x640xi32, #tpu.memory_space<hbm>>
    tpu.enqueue_indirect_dma source(%arg8 : memref<80x640xi32, #tpu.memory_space<vmem>>) target(%dma_start3A_6 : memref<5120x640xi32, #tpu.memory_space<hbm>>) offsets(%arg7 : memref<80xi32, #tpu.memory_space<vmem>>) semaphore(%arg10 : memref<!tpu.dma_semaphore, #tpu.memory_space<semaphore_mem>>)
    %dma_start3A_7 = arith.constant 0 : i32
    %dma_start3A_8 = arith.constant 0 : i32
    %dma_start3A_9 = tpu.memref_slice %arg6[%dma_start3A_7, %dma_start3A_8] : memref<5120x128xf32, #tpu.memory_space<hbm>> -> memref<5120x128xf32, #tpu.memory_space<hbm>>
    tpu.enqueue_indirect_dma source(%arg9 : memref<80x128xf32, #tpu.memory_space<vmem>>) target(%dma_start3A_9 : memref<5120x128xf32, #tpu.memory_space<hbm>>) offsets(%arg7 : memref<80xi32, #tpu.memory_space<vmem>>) semaphore(%arg10 : memref<!tpu.dma_semaphore, #tpu.memory_space<semaphore_mem>>)
    %dma_wait3A = arith.constant 0 : i32
    %dma_wait3A_10 = arith.constant 0 : i32
    %dma_wait3A_11 = tpu.memref_slice %arg5[%dma_wait3A, %dma_wait3A_10] : memref<5120x640xi32, #tpu.memory_space<hbm>> -> memref<5120x640xi32, #tpu.memory_space<hbm>>
    tpu.wait_indirect_dma semaphore(%arg10 : memref<!tpu.dma_semaphore, #tpu.memory_space<semaphore_mem>>) src(%arg8 : memref<80x640xi32, #tpu.memory_space<vmem>>) dst(%dma_wait3A_11 : memref<5120x640xi32, #tpu.memory_space<hbm>>)
    %dma_wait3A_12 = arith.constant 0 : i32
    %dma_wait3A_13 = arith.constant 0 : i32
    %dma_wait3A_14 = tpu.memref_slice %arg6[%dma_wait3A_12, %dma_wait3A_13] : memref<5120x128xf32, #tpu.memory_space<hbm>> -> memref<5120x128xf32, #tpu.memory_space<hbm>>
    tpu.wait_indirect_dma semaphore(%arg10 : memref<!tpu.dma_semaphore, #tpu.memory_space<semaphore_mem>>) src(%arg9 : memref<80x128xf32, #tpu.memory_space<vmem>>) dst(%dma_wait3A_14 : memref<5120x128xf32, #tpu.memory_space<hbm>>)
    %mul3A_15 = arith.constant 160 : i32
    %mul3A_16 = arith.muli %add3A, %mul3A_15 : i32
    %add3A_17 = arith.constant 80 : i32
    %add3A_18 = arith.addi %mul3A_16, %add3A_17 : i32
    "tpu.region"() ({
      %run_scoped3A = tpu.sem_alloc : memref<!tpu.dma_semaphore, #tpu.memory_space<semaphore_mem>>
      %dma_start3A_31 = tpu.memref_slice %arg4[%add3A_18] : memref<5120xi32, #tpu.memory_space<hbm>> -> memref<80xi32, #tpu.memory_space<hbm>>
      %dma_start3A_32 = tpu.memref_slice %arg4[%add3A_18] : memref<5120xi32, #tpu.memory_space<hbm>> -> memref<80xi32, #tpu.memory_space<hbm>>
      tpu.enqueue_dma source(%dma_start3A_32 : memref<80xi32, #tpu.memory_space<hbm>>) target(%arg7 : memref<80xi32, #tpu.memory_space<vmem>>) target_semaphore(%run_scoped3A : memref<!tpu.dma_semaphore, #tpu.memory_space<semaphore_mem>>)
      %dma_wait3A_33 = tpu.memref_slice %arg4[%add3A_18] : memref<5120xi32, #tpu.memory_space<hbm>> -> memref<80xi32, #tpu.memory_space<hbm>>
      %dma_wait3A_34 = tpu.memref_slice %arg4[%add3A_18] : memref<5120xi32, #tpu.memory_space<hbm>> -> memref<80xi32, #tpu.memory_space<hbm>>
      tpu.wait_dma2 semaphore(%run_scoped3A : memref<!tpu.dma_semaphore, #tpu.memory_space<semaphore_mem>>) src(%dma_wait3A_34 : memref<80xi32, #tpu.memory_space<hbm>>) dst(%arg7 : memref<80xi32, #tpu.memory_space<vmem>>)
      tpu.yield
    }) : () -> ()
    "tpu.region"() ({
      %run_scoped3A = tpu.sem_alloc : memref<!tpu.dma_semaphore, #tpu.memory_space<semaphore_mem>>
      %dma_start3A_31 = arith.constant 0 : i32
      %dma_start3A_32 = tpu.memref_slice %arg2[%add3A_18, %dma_start3A_31] : memref<5120x640xi32, #tpu.memory_space<hbm>> -> memref<80x640xi32, #tpu.memory_space<hbm>>
      %dma_start3A_33 = arith.constant 0 : i32
      %dma_start3A_34 = tpu.memref_slice %arg2[%add3A_18, %dma_start3A_33] : memref<5120x640xi32, #tpu.memory_space<hbm>> -> memref<80x640xi32, #tpu.memory_space<hbm>>
      tpu.enqueue_dma source(%dma_start3A_34 : memref<80x640xi32, #tpu.memory_space<hbm>>) target(%arg8 : memref<80x640xi32, #tpu.memory_space<vmem>>) target_semaphore(%run_scoped3A : memref<!tpu.dma_semaphore, #tpu.memory_space<semaphore_mem>>)
      %dma_wait3A_35 = arith.constant 0 : i32
      %dma_wait3A_36 = tpu.memref_slice %arg2[%add3A_18, %dma_wait3A_35] : memref<5120x640xi32, #tpu.memory_space<hbm>> -> memref<80x640xi32, #tpu.memory_space<hbm>>
      %dma_wait3A_37 = arith.constant 0 : i32
      %dma_wait3A_38 = tpu.memref_slice %arg2[%add3A_18, %dma_wait3A_37] : memref<5120x640xi32, #tpu.memory_space<hbm>> -> memref<80x640xi32, #tpu.memory_space<hbm>>
      tpu.wait_dma2 semaphore(%run_scoped3A : memref<!tpu.dma_semaphore, #tpu.memory_space<semaphore_mem>>) src(%dma_wait3A_38 : memref<80x640xi32, #tpu.memory_space<hbm>>) dst(%arg8 : memref<80x640xi32, #tpu.memory_space<vmem>>)
      tpu.yield
    }) : () -> ()
    "tpu.region"() ({
      %run_scoped3A = tpu.sem_alloc : memref<!tpu.dma_semaphore, #tpu.memory_space<semaphore_mem>>
      %dma_start3A_31 = arith.constant 0 : i32
      %dma_start3A_32 = tpu.memref_slice %arg3[%add3A_18, %dma_start3A_31] : memref<5120x128xf32, #tpu.memory_space<hbm>> -> memref<80x128xf32, #tpu.memory_space<hbm>>
      %dma_start3A_33 = arith.constant 0 : i32
      %dma_start3A_34 = tpu.memref_slice %arg3[%add3A_18, %dma_start3A_33] : memref<5120x128xf32, #tpu.memory_space<hbm>> -> memref<80x128xf32, #tpu.memory_space<hbm>>
      tpu.enqueue_dma source(%dma_start3A_34 : memref<80x128xf32, #tpu.memory_space<hbm>>) target(%arg9 : memref<80x128xf32, #tpu.memory_space<vmem>>) target_semaphore(%run_scoped3A : memref<!tpu.dma_semaphore, #tpu.memory_space<semaphore_mem>>)
      %dma_wait3A_35 = arith.constant 0 : i32
      %dma_wait3A_36 = tpu.memref_slice %arg3[%add3A_18, %dma_wait3A_35] : memref<5120x128xf32, #tpu.memory_space<hbm>> -> memref<80x128xf32, #tpu.memory_space<hbm>>
      %dma_wait3A_37 = arith.constant 0 : i32
      %dma_wait3A_38 = tpu.memref_slice %arg3[%add3A_18, %dma_wait3A_37] : memref<5120x128xf32, #tpu.memory_space<hbm>> -> memref<80x128xf32, #tpu.memory_space<hbm>>
      tpu.wait_dma2 semaphore(%run_scoped3A : memref<!tpu.dma_semaphore, #tpu.memory_space<semaphore_mem>>) src(%dma_wait3A_38 : memref<80x128xf32, #tpu.memory_space<hbm>>) dst(%arg9 : memref<80x128xf32, #tpu.memory_space<vmem>>)
      tpu.yield
    }) : () -> ()
    %dma_start3A_19 = arith.constant 0 : i32
    %dma_start3A_20 = arith.constant 0 : i32
    %dma_start3A_21 = tpu.memref_slice %arg5[%dma_start3A_19, %dma_start3A_20] : memref<5120x640xi32, #tpu.memory_space<hbm>> -> memref<5120x640xi32, #tpu.memory_space<hbm>>
    tpu.enqueue_indirect_dma source(%arg8 : memref<80x640xi32, #tpu.memory_space<vmem>>) target(%dma_start3A_21 : memref<5120x640xi32, #tpu.memory_space<hbm>>) offsets(%arg7 : memref<80xi32, #tpu.memory_space<vmem>>) semaphore(%arg10 : memref<!tpu.dma_semaphore, #tpu.memory_space<semaphore_mem>>)
    %dma_start3A_22 = arith.constant 0 : i32
    %dma_start3A_23 = arith.constant 0 : i32
    %dma_start3A_24 = tpu.memref_slice %arg6[%dma_start3A_22, %dma_start3A_23] : memref<5120x128xf32, #tpu.memory_space<hbm>> -> memref<5120x128xf32, #tpu.memory_space<hbm>>
    tpu.enqueue_indirect_dma source(%arg9 : memref<80x128xf32, #tpu.memory_space<vmem>>) target(%dma_start3A_24 : memref<5120x128xf32, #tpu.memory_space<hbm>>) offsets(%arg7 : memref<80xi32, #tpu.memory_space<vmem>>) semaphore(%arg10 : memref<!tpu.dma_semaphore, #tpu.memory_space<semaphore_mem>>)
    %dma_wait3A_25 = arith.constant 0 : i32
    %dma_wait3A_26 = arith.constant 0 : i32
    %dma_wait3A_27 = tpu.memref_slice %arg5[%dma_wait3A_25, %dma_wait3A_26] : memref<5120x640xi32, #tpu.memory_space<hbm>> -> memref<5120x640xi32, #tpu.memory_space<hbm>>
    tpu.wait_indirect_dma semaphore(%arg10 : memref<!tpu.dma_semaphore, #tpu.memory_space<semaphore_mem>>) src(%arg8 : memref<80x640xi32, #tpu.memory_space<vmem>>) dst(%dma_wait3A_27 : memref<5120x640xi32, #tpu.memory_space<hbm>>)
    %dma_wait3A_28 = arith.constant 0 : i32
    %dma_wait3A_29 = arith.constant 0 : i32
    %dma_wait3A_30 = tpu.memref_slice %arg6[%dma_wait3A_28, %dma_wait3A_29] : memref<5120x128xf32, #tpu.memory_space<hbm>> -> memref<5120x128xf32, #tpu.memory_space<hbm>>
    tpu.wait_indirect_dma semaphore(%arg10 : memref<!tpu.dma_semaphore, #tpu.memory_space<semaphore_mem>>) src(%arg9 : memref<80x128xf32, #tpu.memory_space<vmem>>) dst(%dma_wait3A_30 : memref<5120x128xf32, #tpu.memory_space<hbm>>)
    return
  }
}

module attributes {stable_mosaic.version = 14 : i64} {
  func.func @cell(%arg0: i32, %arg1: memref<1024x2560xi32, #tpu.memory_space<vmem>>, %arg2: memref<1x1x1024xf32, #tpu.memory_space<vmem>>, %arg3: memref<1x5120xf32, #tpu.memory_space<vmem>>, %arg4: memref<1x1x1024xf32, #tpu.memory_space<vmem>>, %arg5: memref<1024x640xi32, #tpu.memory_space<vmem>>, %arg6: memref<1x1x1024xi32, #tpu.memory_space<vmem>>, %arg7: memref<1024x128xf32, #tpu.memory_space<vmem>>) attributes {dimension_semantics = [#tpu.dimension_semantics<arbitrary>], iteration_bounds = array<i64: 5>, scalar_prefetch = 0 : i64, scratch_operands = 0 : i64, tpu.core_type = #tpu.core_type<tc>, window_params = [{transform_indices = @transform_0, window_bounds = array<i64: 1024, 2560>}, {transform_indices = @transform_1, window_bounds = array<i64: 1, 1, 1024>}, {pipeline_mode = #tpu.pipeline_mode<synchronous>, transform_indices = @transform_2, window_bounds = array<i64: 1, 5120>}, {transform_indices = @transform_3, window_bounds = array<i64: 1, 1, 1024>}, {transform_indices = @transform_4, window_bounds = array<i64: 1024, 640>}, {transform_indices = @transform_5, window_bounds = array<i64: 1, 1, 1024>}, {transform_indices = @transform_6, window_bounds = array<i64: 1024, 128>}]} {
    %get3A = arith.constant 0 : index
    %get3A_0 = arith.constant 0 : index
    %get3A_1 = vector.load %arg1[%get3A, %get3A_0] : memref<1024x2560xi32, #tpu.memory_space<vmem>>, vector<1024x2560xi32>
    %get3A_2 = arith.constant dense<0> : vector<1024x2560xi32>
    %get3A_3 = arith.cmpi ne, %get3A_1, %get3A_2 : vector<1024x2560xi32>
    %convert_element_type3A = arith.extui %get3A_3 : vector<1024x2560xi1> to vector<1024x2560xi32>
    %mul3A = arith.constant 1024 : i32
    %mul3A_4 = arith.muli %arg0, %mul3A : i32
    %iota3A = tpu.iota {dimensions = array<i32: 0>} : vector<1024x2560xi32>
    %add3A = vector.broadcast %mul3A_4 : i32 to vector<1024x2560xi32>
    %add3A_5 = arith.addi %add3A, %iota3A : vector<1024x2560xi32>
    %iota3A_6 = tpu.iota {dimensions = array<i32: 1>} : vector<1024x2560xi32>
    %lt3A = arith.constant 5000 : i32
    %lt3A_7 = vector.broadcast %lt3A : i32 to vector<1024x2560xi32>
    %lt3A_8 = arith.cmpi slt, %add3A_5, %lt3A_7 : vector<1024x2560xi32>
    %lt3A_9 = arith.constant 2500 : i32
    %lt3A_10 = vector.broadcast %lt3A_9 : i32 to vector<1024x2560xi32>
    %lt3A_11 = arith.cmpi slt, %iota3A_6, %lt3A_10 : vector<1024x2560xi32>
    %and3A = arith.andi %lt3A_8, %lt3A_11 : vector<1024x2560xi1>
    %jit3A = arith.constant 0 : i32
    %broadcast_in_dim3A = vector.broadcast %jit3A : i32 to vector<1024x2560xi32>
    %select_n3A = arith.select %and3A, %convert_element_type3A, %broadcast_in_dim3A : vector<1024x2560xi1>, vector<1024x2560xi32>
    %slice3A = vector.extract_strided_slice %select_n3A {offsets = [0, 0], sizes = [1024, 640], strides = [1, 1]} : vector<1024x2560xi32> to vector<1024x640xi32>
    %slice3A_12 = vector.extract_strided_slice %select_n3A {offsets = [0, 640], sizes = [1024, 640], strides = [1, 1]} : vector<1024x2560xi32> to vector<1024x640xi32>
    %shift_left3A = arith.constant 8 : i32
    %shift_left3A_13 = vector.broadcast %shift_left3A : i32 to vector<1024x640xi32>
    %shift_left3A_14 = arith.shli %slice3A_12, %shift_left3A_13 : vector<1024x640xi32>
    %or3A = arith.ori %slice3A, %shift_left3A_14 : vector<1024x640xi32>
    %slice3A_15 = vector.extract_strided_slice %select_n3A {offsets = [0, 1280], sizes = [1024, 640], strides = [1, 1]} : vector<1024x2560xi32> to vector<1024x640xi32>
    %shift_left3A_16 = arith.constant 16 : i32
    %shift_left3A_17 = vector.broadcast %shift_left3A_16 : i32 to vector<1024x640xi32>
    %shift_left3A_18 = arith.shli %slice3A_15, %shift_left3A_17 : vector<1024x640xi32>
    %or3A_19 = arith.ori %or3A, %shift_left3A_18 : vector<1024x640xi32>
    %slice3A_20 = vector.extract_strided_slice %select_n3A {offsets = [0, 1920], sizes = [1024, 640], strides = [1, 1]} : vector<1024x2560xi32> to vector<1024x640xi32>
    %shift_left3A_21 = arith.constant 24 : i32
    %shift_left3A_22 = vector.broadcast %shift_left3A_21 : i32 to vector<1024x640xi32>
    %shift_left3A_23 = arith.shli %slice3A_20, %shift_left3A_22 : vector<1024x640xi32>
    %or3A_24 = arith.ori %or3A_19, %shift_left3A_23 : vector<1024x640xi32>
    %swap3A = arith.constant 0 : index
    %swap3A_25 = arith.constant 0 : index
    %swap3A_26 = vector.load %arg5[%swap3A, %swap3A_25] : memref<1024x640xi32, #tpu.memory_space<vmem>>, vector<1024x640xi32>
    tpu.vector_store %arg5[%swap3A, %swap3A_25], %or3A_24 {strides = array<i32>} : memref<1024x640xi32, #tpu.memory_space<vmem>>, vector<1024x640xi32>,
    %get3A_27 = arith.constant 0 : index
    %get3A_28 = arith.constant 0 : index
    %get3A_29 = arith.constant 0 : index
    %get3A_30 = vector.load %arg2[%get3A_27, %get3A_28, %get3A_29] : memref<1x1x1024xf32, #tpu.memory_space<vmem>>, vector<1x1x1024xf32>
    %get3A_31 = vector.shape_cast %get3A_30 : vector<1x1x1024xf32> to vector<1024xf32>
    %broadcast_in_dim3A_32 = vector.shape_cast %get3A_31 : vector<1024xf32> to vector<1024x1xf32>
    %get3A_33 = arith.constant 0 : index
    %get3A_34 = arith.constant 0 : index
    %get3A_35 = vector.load %arg3[%get3A_33, %get3A_34] : memref<1x5120xf32, #tpu.memory_space<vmem>>, vector<1x5120xf32>
    %iota3A_36 = tpu.iota {dimensions = array<i32: 1>} : vector<1024x5120xi32>
    %mul3A_37 = arith.constant 1024 : i32
    %mul3A_38 = arith.muli %arg0, %mul3A_37 : i32
    %iota3A_39 = tpu.iota {dimensions = array<i32: 0>} : vector<1024x5120xi32>
    %add3A_40 = vector.broadcast %mul3A_38 : i32 to vector<1024x5120xi32>
    %add3A_41 = arith.addi %add3A_40, %iota3A_39 : vector<1024x5120xi32>
    %gt3A = vector.broadcast %get3A_35 : vector<1x5120xf32> to vector<1024x5120xf32>
    %gt3A_42 = vector.broadcast %broadcast_in_dim3A_32 : vector<1024x1xf32> to vector<1024x5120xf32>
    %gt3A_43 = arith.cmpf ogt, %gt3A, %gt3A_42 : vector<1024x5120xf32>
    %eq3A = vector.broadcast %get3A_35 : vector<1x5120xf32> to vector<1024x5120xf32>
    %eq3A_44 = vector.broadcast %broadcast_in_dim3A_32 : vector<1024x1xf32> to vector<1024x5120xf32>
    %eq3A_45 = arith.cmpf oeq, %eq3A, %eq3A_44 : vector<1024x5120xf32>
    %lt3A_46 = arith.cmpi slt, %iota3A_36, %add3A_41 : vector<1024x5120xi32>
    %and3A_47 = arith.andi %eq3A_45, %lt3A_46 : vector<1024x5120xi1>
    %or3A_48 = arith.ori %gt3A_43, %and3A_47 : vector<1024x5120xi1>
    %convert_element_type3A_49 = arith.extui %or3A_48 : vector<1024x5120xi1> to vector<1024x5120xi32>
    %reduce_sum3A = arith.constant dense<0> : vector<1024xi32>
    %reduce_sum3A_50 = vector.multi_reduction <add>, %convert_element_type3A_49, %reduce_sum3A [1] : vector<1024x5120xi32> to vector<1024xi32>
    %swap3A_51 = arith.constant 0 : index
    %swap3A_52 = arith.constant 0 : index
    %swap3A_53 = arith.constant 0 : index
    %swap3A_54 = vector.load %arg6[%swap3A_51, %swap3A_52, %swap3A_53] : memref<1x1x1024xi32, #tpu.memory_space<vmem>>, vector<1x1x1024xi32>
    %swap3A_55 = vector.shape_cast %swap3A_54 : vector<1x1x1024xi32> to vector<1024xi32>
    %swap3A_56 = vector.shape_cast %reduce_sum3A_50 : vector<1024xi32> to vector<1x1x1024xi32>
    tpu.vector_store %arg6[%swap3A_51, %swap3A_52, %swap3A_53], %swap3A_56 {strides = array<i32>} : memref<1x1x1024xi32, #tpu.memory_space<vmem>>, vector<1x1x1024xi32>,
    %iota3A_57 = tpu.iota {dimensions = array<i32: 1>} : vector<1024x128xi32>
    %mul3A_58 = arith.constant 1024 : i32
    %mul3A_59 = arith.muli %arg0, %mul3A_58 : i32
    %iota3A_60 = tpu.iota {dimensions = array<i32: 0>} : vector<1024x128xi32>
    %add3A_61 = vector.broadcast %mul3A_59 : i32 to vector<1024x128xi32>
    %add3A_62 = arith.addi %add3A_61, %iota3A_60 : vector<1024x128xi32>
    %convert_element_type3A_63 = arith.sitofp %add3A_62 : vector<1024x128xi32> to vector<1024x128xf32>
    %get3A_64 = arith.constant 0 : index
    %get3A_65 = arith.constant 0 : index
    %get3A_66 = arith.constant 0 : index
    %get3A_67 = vector.load %arg4[%get3A_64, %get3A_65, %get3A_66] : memref<1x1x1024xf32, #tpu.memory_space<vmem>>, vector<1x1x1024xf32>
    %get3A_68 = vector.shape_cast %get3A_67 : vector<1x1x1024xf32> to vector<1024xf32>
    %broadcast_in_dim3A_69 = vector.shape_cast %get3A_68 : vector<1024xf32> to vector<1024x1xf32>
    %eq3A_70 = arith.constant 0 : i32
    %eq3A_71 = vector.broadcast %eq3A_70 : i32 to vector<1024x128xi32>
    %eq3A_72 = arith.cmpi eq, %iota3A_57, %eq3A_71 : vector<1024x128xi32>
    %jit3A_73 = arith.constant 0.000000e+00 : f32
    %broadcast_in_dim3A_74 = vector.shape_cast %broadcast_in_dim3A_32 : vector<1024x1xf32> to vector<1024x1xf32>
    %broadcast_in_dim3A_75 = vector.broadcast %broadcast_in_dim3A_74 : vector<1024x1xf32> to vector<1024x128xf32>
    %broadcast_in_dim3A_76 = vector.broadcast %jit3A_73 : f32 to vector<1024x128xf32>
    %select_n3A_77 = arith.select %eq3A_72, %broadcast_in_dim3A_75, %broadcast_in_dim3A_76 : vector<1024x128xi1>, vector<1024x128xf32>
    %eq3A_78 = arith.constant 1 : i32
    %eq3A_79 = vector.broadcast %eq3A_78 : i32 to vector<1024x128xi32>
    %eq3A_80 = arith.cmpi eq, %iota3A_57, %eq3A_79 : vector<1024x128xi32>
    %broadcast_in_dim3A_81 = vector.shape_cast %broadcast_in_dim3A_69 : vector<1024x1xf32> to vector<1024x1xf32>
    %broadcast_in_dim3A_82 = vector.broadcast %broadcast_in_dim3A_81 : vector<1024x1xf32> to vector<1024x128xf32>
    %select_n3A_83 = arith.select %eq3A_80, %broadcast_in_dim3A_82, %select_n3A_77 : vector<1024x128xi1>, vector<1024x128xf32>
    %eq3A_84 = arith.constant 2 : i32
    %eq3A_85 = vector.broadcast %eq3A_84 : i32 to vector<1024x128xi32>
    %eq3A_86 = arith.cmpi eq, %iota3A_57, %eq3A_85 : vector<1024x128xi32>
    %select_n3A_87 = arith.select %eq3A_86, %convert_element_type3A_63, %select_n3A_83 : vector<1024x128xi1>, vector<1024x128xf32>
    %swap3A_88 = arith.constant 0 : index
    %swap3A_89 = arith.constant 0 : index
    %swap3A_90 = vector.load %arg7[%swap3A_88, %swap3A_89] : memref<1024x128xf32, #tpu.memory_space<vmem>>, vector<1024x128xf32>
    tpu.vector_store %arg7[%swap3A_88, %swap3A_89], %select_n3A_87 {strides = array<i32>} : memref<1024x128xf32, #tpu.memory_space<vmem>>, vector<1024x128xf32>,
    return
  }
  func.func @transform_0(%arg0: i32) -> (i32, i32) {
    %c0_i32 = arith.constant 0 : i32
    %c0_i32_0 = arith.constant 0 : i32
    return %arg0, %c0_i32 : i32, i32
  }
  func.func @transform_1(%arg0: i32) -> (i32, i32, i32) {
    %c0_i32 = arith.constant 0 : i32
    %c0_i32_0 = arith.constant 0 : i32
    %c0_i32_1 = arith.constant 0 : i32
    return %arg0, %c0_i32, %c0_i32_0 : i32, i32, i32
  }
  func.func @transform_2(%arg0: i32) -> (i32, i32) {
    %c0_i32 = arith.constant 0 : i32
    %c0_i32_0 = arith.constant 0 : i32
    %c0_i32_1 = arith.constant 0 : i32
    return %c0_i32, %c0_i32_0 : i32, i32
  }
  func.func @transform_3(%arg0: i32) -> (i32, i32, i32) {
    %c0_i32 = arith.constant 0 : i32
    %c0_i32_0 = arith.constant 0 : i32
    %c0_i32_1 = arith.constant 0 : i32
    return %arg0, %c0_i32, %c0_i32_0 : i32, i32, i32
  }
  func.func @transform_4(%arg0: i32) -> (i32, i32) {
    %c0_i32 = arith.constant 0 : i32
    %c0_i32_0 = arith.constant 0 : i32
    return %arg0, %c0_i32 : i32, i32
  }
  func.func @transform_5(%arg0: i32) -> (i32, i32, i32) {
    %c0_i32 = arith.constant 0 : i32
    %c0_i32_0 = arith.constant 0 : i32
    %c0_i32_1 = arith.constant 0 : i32
    return %arg0, %c0_i32, %c0_i32_0 : i32, i32, i32
  }
  func.func @transform_6(%arg0: i32) -> (i32, i32) {
    %c0_i32 = arith.constant 0 : i32
    %c0_i32_0 = arith.constant 0 : i32
    return %arg0, %c0_i32 : i32, i32
  }
}

module attributes {stable_mosaic.version = 14 : i64} {
  func.func @_unpack_cell(%arg0: i32, %arg1: memref<1024x640xi32, #tpu.memory_space<vmem>>, %arg2: memref<1024x2560xi8, #tpu.memory_space<vmem>>, %arg3: memref<1x1x1024xi32, #tpu.memory_space<vmem>>, %arg4: memref<1024x8xi32, #tpu.memory_space<vmem>>) attributes {dimension_semantics = [#tpu.dimension_semantics<arbitrary>], iteration_bounds = array<i64: 5>, scalar_prefetch = 0 : i64, scratch_operands = 0 : i64, tpu.core_type = #tpu.core_type<tc>, window_params = [{transform_indices = @transform_0, window_bounds = array<i64: 1024, 640>}, {transform_indices = @transform_1, window_bounds = array<i64: 1024, 2560>}, {transform_indices = @transform_2, window_bounds = array<i64: 1, 1, 1024>}, {transform_indices = @transform_3, window_bounds = array<i64: 1024, 8>}]} {
    %get3A = arith.constant 0 : index
    %get3A_0 = arith.constant 0 : index
    %get3A_1 = vector.load %arg1[%get3A, %get3A_0] : memref<1024x640xi32, #tpu.memory_space<vmem>>, vector<1024x640xi32>
    %shift_right_arithmetic3A = arith.constant 0 : i32
    %shift_right_arithmetic3A_2 = vector.broadcast %shift_right_arithmetic3A : i32 to vector<1024x640xi32>
    %shift_right_arithmetic3A_3 = arith.shrsi %get3A_1, %shift_right_arithmetic3A_2 : vector<1024x640xi32>
    %and3A = arith.constant 1 : i32
    %and3A_4 = vector.broadcast %and3A : i32 to vector<1024x640xi32>
    %and3A_5 = arith.andi %shift_right_arithmetic3A_3, %and3A_4 : vector<1024x640xi32>
    %convert_element_type3A = arith.trunci %and3A_5 : vector<1024x640xi32> to vector<1024x640xi8>
    %shift_right_arithmetic3A_6 = arith.constant 8 : i32
    %shift_right_arithmetic3A_7 = vector.broadcast %shift_right_arithmetic3A_6 : i32 to vector<1024x640xi32>
    %shift_right_arithmetic3A_8 = arith.shrsi %get3A_1, %shift_right_arithmetic3A_7 : vector<1024x640xi32>
    %and3A_9 = arith.constant 1 : i32
    %and3A_10 = vector.broadcast %and3A_9 : i32 to vector<1024x640xi32>
    %and3A_11 = arith.andi %shift_right_arithmetic3A_8, %and3A_10 : vector<1024x640xi32>
    %convert_element_type3A_12 = arith.trunci %and3A_11 : vector<1024x640xi32> to vector<1024x640xi8>
    %shift_right_arithmetic3A_13 = arith.constant 16 : i32
    %shift_right_arithmetic3A_14 = vector.broadcast %shift_right_arithmetic3A_13 : i32 to vector<1024x640xi32>
    %shift_right_arithmetic3A_15 = arith.shrsi %get3A_1, %shift_right_arithmetic3A_14 : vector<1024x640xi32>
    %and3A_16 = arith.constant 1 : i32
    %and3A_17 = vector.broadcast %and3A_16 : i32 to vector<1024x640xi32>
    %and3A_18 = arith.andi %shift_right_arithmetic3A_15, %and3A_17 : vector<1024x640xi32>
    %convert_element_type3A_19 = arith.trunci %and3A_18 : vector<1024x640xi32> to vector<1024x640xi8>
    %shift_right_arithmetic3A_20 = arith.constant 24 : i32
    %shift_right_arithmetic3A_21 = vector.broadcast %shift_right_arithmetic3A_20 : i32 to vector<1024x640xi32>
    %shift_right_arithmetic3A_22 = arith.shrsi %get3A_1, %shift_right_arithmetic3A_21 : vector<1024x640xi32>
    %and3A_23 = arith.constant 1 : i32
    %and3A_24 = vector.broadcast %and3A_23 : i32 to vector<1024x640xi32>
    %and3A_25 = arith.andi %shift_right_arithmetic3A_22, %and3A_24 : vector<1024x640xi32>
    %convert_element_type3A_26 = arith.trunci %and3A_25 : vector<1024x640xi32> to vector<1024x640xi8>
    %concatenate3A = tpu.concatenate %convert_element_type3A, %convert_element_type3A_12, %convert_element_type3A_19, %convert_element_type3A_26 in 1 : vector<1024x640xi8>, vector<1024x640xi8>, vector<1024x640xi8>, vector<1024x640xi8> -> vector<1024x2560xi8>
    %swap3A = arith.constant 0 : index
    %swap3A_27 = arith.constant 0 : index
    %swap3A_28 = vector.load %arg2[%swap3A, %swap3A_27] : memref<1024x2560xi8, #tpu.memory_space<vmem>>, vector<1024x2560xi8>
    tpu.vector_store %arg2[%swap3A, %swap3A_27], %concatenate3A {strides = array<i32>} : memref<1024x2560xi8, #tpu.memory_space<vmem>>, vector<1024x2560xi8>,
    %shift_right_arithmetic3A_29 = arith.constant 0 : i32
    %shift_right_arithmetic3A_30 = vector.broadcast %shift_right_arithmetic3A_29 : i32 to vector<1024x640xi32>
    %shift_right_arithmetic3A_31 = arith.shrsi %get3A_1, %shift_right_arithmetic3A_30 : vector<1024x640xi32>
    %and3A_32 = arith.constant 1 : i32
    %and3A_33 = vector.broadcast %and3A_32 : i32 to vector<1024x640xi32>
    %and3A_34 = arith.andi %shift_right_arithmetic3A_31, %and3A_33 : vector<1024x640xi32>
    %reduce_sum3A = arith.constant dense<0> : vector<1024xi32>
    %reduce_sum3A_35 = vector.multi_reduction <add>, %and3A_34, %reduce_sum3A [1] : vector<1024x640xi32> to vector<1024xi32>
    %add3A = arith.constant 0 : i32
    %add3A_36 = vector.broadcast %add3A : i32 to vector<1024xi32>
    %add3A_37 = arith.addi %add3A_36, %reduce_sum3A_35 : vector<1024xi32>
    %shift_right_arithmetic3A_38 = arith.constant 8 : i32
    %shift_right_arithmetic3A_39 = vector.broadcast %shift_right_arithmetic3A_38 : i32 to vector<1024x640xi32>
    %shift_right_arithmetic3A_40 = arith.shrsi %get3A_1, %shift_right_arithmetic3A_39 : vector<1024x640xi32>
    %and3A_41 = arith.constant 1 : i32
    %and3A_42 = vector.broadcast %and3A_41 : i32 to vector<1024x640xi32>
    %and3A_43 = arith.andi %shift_right_arithmetic3A_40, %and3A_42 : vector<1024x640xi32>
    %reduce_sum3A_44 = arith.constant dense<0> : vector<1024xi32>
    %reduce_sum3A_45 = vector.multi_reduction <add>, %and3A_43, %reduce_sum3A_44 [1] : vector<1024x640xi32> to vector<1024xi32>
    %add3A_46 = arith.addi %add3A_37, %reduce_sum3A_45 : vector<1024xi32>
    %shift_right_arithmetic3A_47 = arith.constant 16 : i32
    %shift_right_arithmetic3A_48 = vector.broadcast %shift_right_arithmetic3A_47 : i32 to vector<1024x640xi32>
    %shift_right_arithmetic3A_49 = arith.shrsi %get3A_1, %shift_right_arithmetic3A_48 : vector<1024x640xi32>
    %and3A_50 = arith.constant 1 : i32
    %and3A_51 = vector.broadcast %and3A_50 : i32 to vector<1024x640xi32>
    %and3A_52 = arith.andi %shift_right_arithmetic3A_49, %and3A_51 : vector<1024x640xi32>
    %reduce_sum3A_53 = arith.constant dense<0> : vector<1024xi32>
    %reduce_sum3A_54 = vector.multi_reduction <add>, %and3A_52, %reduce_sum3A_53 [1] : vector<1024x640xi32> to vector<1024xi32>
    %add3A_55 = arith.addi %add3A_46, %reduce_sum3A_54 : vector<1024xi32>
    %shift_right_arithmetic3A_56 = arith.constant 24 : i32
    %shift_right_arithmetic3A_57 = vector.broadcast %shift_right_arithmetic3A_56 : i32 to vector<1024x640xi32>
    %shift_right_arithmetic3A_58 = arith.shrsi %get3A_1, %shift_right_arithmetic3A_57 : vector<1024x640xi32>
    %and3A_59 = arith.constant 1 : i32
    %and3A_60 = vector.broadcast %and3A_59 : i32 to vector<1024x640xi32>
    %and3A_61 = arith.andi %shift_right_arithmetic3A_58, %and3A_60 : vector<1024x640xi32>
    %reduce_sum3A_62 = arith.constant dense<0> : vector<1024xi32>
    %reduce_sum3A_63 = vector.multi_reduction <add>, %and3A_61, %reduce_sum3A_62 [1] : vector<1024x640xi32> to vector<1024xi32>
    %add3A_64 = arith.addi %add3A_55, %reduce_sum3A_63 : vector<1024xi32>
    %swap3A_65 = arith.constant 0 : index
    %swap3A_66 = arith.constant 0 : index
    %swap3A_67 = arith.constant 0 : index
    %swap3A_68 = vector.load %arg3[%swap3A_65, %swap3A_66, %swap3A_67] : memref<1x1x1024xi32, #tpu.memory_space<vmem>>, vector<1x1x1024xi32>
    %swap3A_69 = vector.shape_cast %swap3A_68 : vector<1x1x1024xi32> to vector<1024xi32>
    %swap3A_70 = vector.shape_cast %add3A_64 : vector<1024xi32> to vector<1x1x1024xi32>
    tpu.vector_store %arg3[%swap3A_65, %swap3A_66, %swap3A_67], %swap3A_70 {strides = array<i32>} : memref<1x1x1024xi32, #tpu.memory_space<vmem>>, vector<1x1x1024xi32>,
    %broadcast_in_dim3A = vector.shape_cast %add3A_64 : vector<1024xi32> to vector<1024x1xi32>
    %broadcast_in_dim3A_71 = vector.shape_cast %broadcast_in_dim3A : vector<1024x1xi32> to vector<1024x1xi32>
    %broadcast_in_dim3A_72 = vector.broadcast %broadcast_in_dim3A_71 : vector<1024x1xi32> to vector<1024x8xi32>
    %swap3A_73 = arith.constant 0 : index
    %swap3A_74 = arith.constant 0 : index
    %swap3A_75 = vector.load %arg4[%swap3A_73, %swap3A_74] : memref<1024x8xi32, #tpu.memory_space<vmem>>, vector<1024x8xi32>
    tpu.vector_store %arg4[%swap3A_73, %swap3A_74], %broadcast_in_dim3A_72 {strides = array<i32>} : memref<1024x8xi32, #tpu.memory_space<vmem>>, vector<1024x8xi32>,
    return
  }
  func.func @transform_0(%arg0: i32) -> (i32, i32) {
    %c0_i32 = arith.constant 0 : i32
    %c0_i32_0 = arith.constant 0 : i32
    return %arg0, %c0_i32 : i32, i32
  }
  func.func @transform_1(%arg0: i32) -> (i32, i32) {
    %c0_i32 = arith.constant 0 : i32
    %c0_i32_0 = arith.constant 0 : i32
    return %arg0, %c0_i32 : i32, i32
  }
  func.func @transform_2(%arg0: i32) -> (i32, i32, i32) {
    %c0_i32 = arith.constant 0 : i32
    %c0_i32_0 = arith.constant 0 : i32
    %c0_i32_1 = arith.constant 0 : i32
    return %arg0, %c0_i32, %c0_i32_0 : i32, i32, i32
  }
  func.func @transform_3(%arg0: i32) -> (i32, i32) {
    %c0_i32 = arith.constant 0 : i32
    %c0_i32_0 = arith.constant 0 : i32
    return %arg0, %c0_i32 : i32, i32
  }
}

module attributes {stable_mosaic.version = 14 : i64} {
  func.func @_nms_cell(%arg0: i32, %arg1: i32, %arg2: memref<1x1x1024xi32, #tpu.memory_space<vmem>>, %arg3: memref<1x1x1024xi32, #tpu.memory_space<vmem>>, %arg4: memref<1x1x1024xf32, #tpu.memory_space<vmem>>, %arg5: memref<1024x8xi32, #tpu.memory_space<vmem>>, %arg6: memref<1x1x1024xi32, #tpu.memory_space<vmem>>, %arg7: memref<1024x2560xi8, #tpu.memory_space<vmem>>, %arg8: memref<1024x2560xi8, #tpu.memory_space<vmem>>, %arg9: memref<1x1x1024xf32, #tpu.memory_space<vmem>>, %arg10: memref<1x1x1024xf32, #tpu.memory_space<vmem>>, %arg11: memref<5x1024xf32, #tpu.memory_space<vmem>>, %arg12: memref<1x1024xf32, #tpu.memory_space<vmem>>, %arg13: memref<1024x1024xf32, #tpu.memory_space<vmem>>, %arg14: memref<1x1024xf32, #tpu.memory_space<vmem>>) attributes {dimension_semantics = [#tpu.dimension_semantics<arbitrary>, #tpu.dimension_semantics<arbitrary>], iteration_bounds = array<i64: 5, 5>, scalar_prefetch = 0 : i64, scratch_operands = 4 : i64, tpu.core_type = #tpu.core_type<tc>, window_params = [{transform_indices = @transform_0, window_bounds = array<i64: 1, 1, 1024>}, {transform_indices = @transform_1, window_bounds = array<i64: 1, 1, 1024>}, {transform_indices = @transform_2, window_bounds = array<i64: 1, 1, 1024>}, {transform_indices = @transform_3, window_bounds = array<i64: 1024, 8>}, {transform_indices = @transform_4, window_bounds = array<i64: 1, 1, 1024>}, {transform_indices = @transform_5, window_bounds = array<i64: 1024, 2560>}, {transform_indices = @transform_6, window_bounds = array<i64: 1024, 2560>}, {transform_indices = @transform_7, window_bounds = array<i64: 1, 1, 1024>}, {transform_indices = @transform_8, window_bounds = array<i64: 1, 1, 1024>}]} {
    %eq3A = arith.constant 0 : i32
    %eq3A_0 = arith.cmpi eq, %arg1, %eq3A : i32
    %convert_element_type3A = arith.extui %eq3A_0 : i1 to i32
    %cond3A = arith.constant 0 : i32
    %cond3A_1 = arith.cmpi ne, %convert_element_type3A, %cond3A : i32
    scf.if %cond3A_1 {
      %broadcast_in_dim3A = arith.constant 0.000000e+00 : f32
      %broadcast_in_dim3A_5 = vector.broadcast %broadcast_in_dim3A : f32 to vector<1x1024xf32>
      %swap3A = arith.constant 0 : index
      %swap3A_6 = arith.constant 0 : index
      %swap3A_7 = vector.load %arg12[%swap3A, %swap3A_6] : memref<1x1024xf32, #tpu.memory_space<vmem>>, vector<1x1024xf32>
      tpu.vector_store %arg12[%swap3A, %swap3A_6], %broadcast_in_dim3A_5 {strides = array<i32>} : memref<1x1024xf32, #tpu.memory_space<vmem>>, vector<1x1024xf32>,
    } else {
    }
    %le3A = arith.cmpi sle, %arg1, %arg0 : i32
    %convert_element_type3A_2 = arith.extui %le3A : i1 to i32
    %cond3A_3 = arith.constant 0 : i32
    %cond3A_4 = arith.cmpi ne, %convert_element_type3A_2, %cond3A_3 : i32
    scf.if %cond3A_4 {
      %get3A = arith.constant 0 : index
      %get3A_5 = arith.constant 0 : index
      %get3A_6 = vector.load %arg7[%get3A, %get3A_5] : memref<1024x2560xi8, #tpu.memory_space<vmem>>, vector<1024x2560xi8>
      %get3A_7 = arith.constant 0 : index
      %get3A_8 = arith.constant 0 : index
      %get3A_9 = vector.load %arg8[%get3A_7, %get3A_8] : memref<1024x2560xi8, #tpu.memory_space<vmem>>, vector<1024x2560xi8>
      %dot_general3A = arith.constant dense<0> : vector<1024x1024xi32>
      %dot_general3A_10 = tpu.matmul %get3A_6, %get3A_9, %dot_general3A {dimension_numbers = #tpu.dot_dimension_numbers<[1], [1], [0], [0], [0, 0, 1, 0], [], []>, transpose_lhs_hint = false} : vector<1024x2560xi8>, vector<1024x2560xi8>, vector<1024x1024xi32> -> vector<1024x1024xi32>
      %get3A_11 = arith.constant 0 : index
      %get3A_12 = arith.constant 0 : index
      %get3A_13 = vector.load %arg5[%get3A_11, %get3A_12] : memref<1024x8xi32, #tpu.memory_space<vmem>>, vector<1024x8xi32>
      %slice3A = vector.extract_strided_slice %get3A_13 {offsets = [0, 0], sizes = [1024, 1], strides = [1, 1]} : vector<1024x8xi32> to vector<1024x1xi32>
      %get3A_14 = arith.constant 0 : index
      %get3A_15 = arith.constant 0 : index
      %get3A_16 = arith.constant 0 : index
      %get3A_17 = vector.load %arg6[%get3A_14, %get3A_15, %get3A_16] : memref<1x1x1024xi32, #tpu.memory_space<vmem>>, vector<1x1x1024xi32>
      %get3A_18 = vector.shape_cast %get3A_17 : vector<1x1x1024xi32> to vector<1x1024xi32>
      %get3A_19 = arith.constant 0 : index
      %get3A_20 = arith.constant 0 : index
      %get3A_21 = arith.constant 0 : index
      %get3A_22 = vector.load %arg2[%get3A_19, %get3A_20, %get3A_21] : memref<1x1x1024xi32, #tpu.memory_space<vmem>>, vector<1x1x1024xi32>
      %get3A_23 = vector.shape_cast %get3A_22 : vector<1x1x1024xi32> to vector<1024xi32>
      %get3A_24 = arith.constant 0 : index
      %get3A_25 = arith.constant 0 : index
      %get3A_26 = arith.constant 0 : index
      %get3A_27 = vector.load %arg3[%get3A_24, %get3A_25, %get3A_26] : memref<1x1x1024xi32, #tpu.memory_space<vmem>>, vector<1x1x1024xi32>
      %get3A_28 = vector.shape_cast %get3A_27 : vector<1x1x1024xi32> to vector<1024xi32>
      %mul3A = arith.constant 3 : i32
      %mul3A_29 = vector.broadcast %mul3A : i32 to vector<1024x1024xi32>
      %mul3A_30 = arith.muli %mul3A_29, %dot_general3A_10 : vector<1024x1024xi32>
      %add3A = vector.broadcast %slice3A : vector<1024x1xi32> to vector<1024x1024xi32>
      %add3A_31 = vector.broadcast %get3A_18 : vector<1x1024xi32> to vector<1024x1024xi32>
      %add3A_32 = arith.addi %add3A, %add3A_31 : vector<1024x1024xi32>
      %gt3A = arith.cmpi sgt, %mul3A_30, %add3A_32 : vector<1024x1024xi32>
      %broadcast_in_dim3A = vector.shape_cast %get3A_23 : vector<1024xi32> to vector<1024x1xi32>
      %broadcast_in_dim3A_33 = vector.shape_cast %get3A_28 : vector<1024xi32> to vector<1x1024xi32>
      %eq3A_34 = vector.broadcast %broadcast_in_dim3A : vector<1024x1xi32> to vector<1024x1024xi32>
      %eq3A_35 = vector.broadcast %broadcast_in_dim3A_33 : vector<1x1024xi32> to vector<1024x1024xi32>
      %eq3A_36 = arith.cmpi eq, %eq3A_34, %eq3A_35 : vector<1024x1024xi32>
      %and3A = arith.andi %gt3A, %eq3A_36 : vector<1024x1024xi1>
      %convert_element_type3A_37 = arith.extui %and3A : vector<1024x1024xi1> to vector<1024x1024xi32>
      %convert_element_type3A_38 = arith.sitofp %convert_element_type3A_37 : vector<1024x1024xi32> to vector<1024x1024xf32>
      %convert_element_type3A_39 = arith.truncf %convert_element_type3A_38 : vector<1024x1024xf32> to vector<1024x1024xbf16>
      %lt3A = arith.cmpi slt, %arg1, %arg0 : i32
      %convert_element_type3A_40 = arith.extui %lt3A : i1 to i32
      %cond3A_41 = arith.constant 0 : i32
      %cond3A_42 = arith.cmpi ne, %convert_element_type3A_40, %cond3A_41 : i32
      scf.if %cond3A_42 {
        %get3A_47 = arith.index_cast %arg1 : i32 to index
        %get3A_48 = arith.constant 0 : index
        %get3A_49 = vector.load %arg11[%get3A_47, %get3A_48] : memref<5x1024xf32, #tpu.memory_space<vmem>>, vector<1x1024xf32>
        %convert_element_type3A_50 = arith.truncf %get3A_49 : vector<1x1024xf32> to vector<1x1024xbf16>
        %dot_general3A_51 = arith.constant dense<0.000000e+00> : vector<1x1024xf32>
        %dot_general3A_52 = tpu.matmul %convert_element_type3A_50, %convert_element_type3A_39, %dot_general3A_51 {dimension_numbers = #tpu.dot_dimension_numbers<[1], [0], [0], [1], [0, 0, 1, 1], [], []>, transpose_lhs_hint = false} : vector<1x1024xbf16>, vector<1024x1024xbf16>, vector<1x1024xf32> -> vector<1x1024xf32>
        %get3A_53 = arith.constant 0 : index
        %get3A_54 = arith.constant 0 : index
        %get3A_55 = vector.load %arg12[%get3A_53, %get3A_54] : memref<1x1024xf32, #tpu.memory_space<vmem>>, vector<1x1024xf32>
        %add3A_56 = arith.addf %get3A_55, %dot_general3A_52 : vector<1x1024xf32>
        %swap3A = arith.constant 0 : index
        %swap3A_57 = arith.constant 0 : index
        %swap3A_58 = vector.load %arg12[%swap3A, %swap3A_57] : memref<1x1024xf32, #tpu.memory_space<vmem>>, vector<1x1024xf32>
        tpu.vector_store %arg12[%swap3A, %swap3A_57], %add3A_56 {strides = array<i32>} : memref<1x1024xf32, #tpu.memory_space<vmem>>, vector<1x1024xf32>,
      } else {
      }
      %eq3A_43 = arith.cmpi eq, %arg1, %arg0 : i32
      %convert_element_type3A_44 = arith.extui %eq3A_43 : i1 to i32
      %cond3A_45 = arith.constant 0 : i32
      %cond3A_46 = arith.cmpi ne, %convert_element_type3A_44, %cond3A_45 : i32
      scf.if %cond3A_46 {
        %iota3A = tpu.iota {dimensions = array<i32: 0>} : vector<1024x1024xi32>
        %iota3A_47 = tpu.iota {dimensions = array<i32: 1>} : vector<1024x1024xi32>
        %convert_element_type3A_48 = arith.extf %convert_element_type3A_39 : vector<1024x1024xbf16> to vector<1024x1024xf32>
        %gt3A_49 = arith.cmpi sgt, %iota3A_47, %iota3A : vector<1024x1024xi32>
        %convert_element_type3A_50 = arith.extui %gt3A_49 : vector<1024x1024xi1> to vector<1024x1024xi32>
        %convert_element_type3A_51 = arith.sitofp %convert_element_type3A_50 : vector<1024x1024xi32> to vector<1024x1024xf32>
        %mul3A_52 = arith.mulf %convert_element_type3A_48, %convert_element_type3A_51 : vector<1024x1024xf32>
        %swap3A = arith.constant 0 : index
        %swap3A_53 = arith.constant 0 : index
        %swap3A_54 = vector.load %arg13[%swap3A, %swap3A_53] : memref<1024x1024xf32, #tpu.memory_space<vmem>>, vector<1024x1024xf32>
        tpu.vector_store %arg13[%swap3A, %swap3A_53], %mul3A_52 {strides = array<i32>} : memref<1024x1024xf32, #tpu.memory_space<vmem>>, vector<1024x1024xf32>,
        %get3A_55 = arith.constant 0 : index
        %get3A_56 = arith.constant 0 : index
        %get3A_57 = vector.load %arg12[%get3A_55, %get3A_56] : memref<1x1024xf32, #tpu.memory_space<vmem>>, vector<1x1024xf32>
        %eq3A_58 = arith.constant 0.000000e+00 : f32
        %eq3A_59 = vector.broadcast %eq3A_58 : f32 to vector<1x1024xf32>
        %eq3A_60 = arith.cmpf oeq, %get3A_57, %eq3A_59 : vector<1x1024xf32>
        %convert_element_type3A_61 = arith.extui %eq3A_60 : vector<1x1024xi1> to vector<1x1024xi32>
        %convert_element_type3A_62 = arith.sitofp %convert_element_type3A_61 : vector<1x1024xi32> to vector<1x1024xf32>
        %swap3A_63 = arith.constant 0 : index
        %swap3A_64 = arith.constant 0 : index
        %swap3A_65 = vector.load %arg14[%swap3A_63, %swap3A_64] : memref<1x1024xf32, #tpu.memory_space<vmem>>, vector<1x1024xf32>
        tpu.vector_store %arg14[%swap3A_63, %swap3A_64], %convert_element_type3A_62 {strides = array<i32>} : memref<1x1024xf32, #tpu.memory_space<vmem>>, vector<1x1024xf32>,
        %reduce_max3A = vector.shape_cast %mul3A_52 : vector<1024x1024xf32> to vector<1x1024x1024xf32>
        %reduce_max3A_66 = arith.constant dense<0xFF800000> : vector<1xf32>
        %reduce_max3A_67 = vector.multi_reduction <maximumf>, %reduce_max3A, %reduce_max3A_66 [1, 2] : vector<1x1024x1024xf32> to vector<1xf32>
        %reduce_max3A_68 = vector.shape_cast %reduce_max3A_67 : vector<1xf32> to vector<1x1x1xf32>
        %reduce_max3A_69 = vector.extract %reduce_max3A_68[0, 0, 0] : f32 from vector<1x1x1xf32>
        %gt3A_70 = arith.constant 0.000000e+00 : f32
        %gt3A_71 = arith.cmpf ogt, %reduce_max3A_69, %gt3A_70 : f32
        %convert_element_type3A_72 = arith.extui %gt3A_71 : i1 to i32
        %cond3A_73 = arith.constant 0 : i32
        %cond3A_74 = arith.cmpi ne, %convert_element_type3A_72, %cond3A_73 : i32
        scf.if %cond3A_74 {
          %iota3A_99 = tpu.iota {dimensions = array<i32: 1>} : vector<1x1024xi32>
          %scan3A = arith.constant 0 : i32
          %scan3A_100 = arith.constant 1024 : i32
          %scan3A_101 = arith.addi %scan3A, %scan3A_100 : i32
          %scan3A_102 = arith.constant 1 : i32
          scf.for %scan3A_104 = %scan3A to %scan3A_101 step %scan3A_102  : i32 {
            %get3A_105 = arith.constant 0 : index
            %get3A_106 = arith.constant 0 : index
            %get3A_107 = vector.load %arg14[%get3A_105, %get3A_106] : memref<1x1024xf32, #tpu.memory_space<vmem>>, vector<1x1024xf32>
            %eq3A_108 = vector.broadcast %scan3A_104 : i32 to vector<1x1024xi32>
            %eq3A_109 = arith.cmpi eq, %iota3A_99, %eq3A_108 : vector<1x1024xi32>
            %jit3A = arith.constant 0.000000e+00 : f32
            %broadcast_in_dim3A_110 = vector.broadcast %jit3A : f32 to vector<1x1024xf32>
            %select_n3A = arith.select %eq3A_109, %get3A_107, %broadcast_in_dim3A_110 : vector<1x1024xi1>, vector<1x1024xf32>
            %reduce_sum3A = vector.shape_cast %select_n3A : vector<1x1024xf32> to vector<1x1x1024xf32>
            %reduce_sum3A_111 = arith.constant dense<0.000000e+00> : vector<1xf32>
            %reduce_sum3A_112 = vector.multi_reduction <add>, %reduce_sum3A, %reduce_sum3A_111 [1, 2] : vector<1x1x1024xf32> to vector<1xf32>
            %reduce_sum3A_113 = vector.shape_cast %reduce_sum3A_112 : vector<1xf32> to vector<1x1x1xf32>
            %reduce_sum3A_114 = vector.extract %reduce_sum3A_113[0, 0, 0] : f32 from vector<1x1x1xf32>
            %get3A_115 = arith.index_cast %scan3A_104 : i32 to index
            %get3A_116 = arith.constant 0 : index
            %get3A_117 = vector.load %arg13[%get3A_115, %get3A_116] : memref<1024x1024xf32, #tpu.memory_space<vmem>>, vector<1x1024xf32>
            %mul3A_118 = vector.broadcast %reduce_sum3A_114 : f32 to vector<1x1024xf32>
            %mul3A_119 = arith.mulf %get3A_117, %mul3A_118 : vector<1x1024xf32>
            %sub3A = arith.constant 1.000000e+00 : f32
            %sub3A_120 = vector.broadcast %sub3A : f32 to vector<1x1024xf32>
            %sub3A_121 = arith.subf %sub3A_120, %mul3A_119 : vector<1x1024xf32>
            %mul3A_122 = arith.mulf %get3A_107, %sub3A_121 : vector<1x1024xf32>
            %swap3A_123 = arith.constant 0 : index
            %swap3A_124 = arith.constant 0 : index
            %swap3A_125 = vector.load %arg14[%swap3A_123, %swap3A_124] : memref<1x1024xf32, #tpu.memory_space<vmem>>, vector<1x1024xf32>
            tpu.vector_store %arg14[%swap3A_123, %swap3A_124], %mul3A_122 {strides = array<i32>} : memref<1x1024xf32, #tpu.memory_space<vmem>>, vector<1x1024xf32>,
          }
          %scan3A_103 = arith.constant 1024 : i32
        } else {
        }
        %get3A_75 = arith.constant 0 : index
        %get3A_76 = arith.constant 0 : index
        %get3A_77 = vector.load %arg14[%get3A_75, %get3A_76] : memref<1x1024xf32, #tpu.memory_space<vmem>>, vector<1x1024xf32>
        %swap3A_78 = arith.index_cast %arg0 : i32 to index
        %swap3A_79 = arith.constant 0 : index
        %swap3A_80 = vector.load %arg11[%swap3A_78, %swap3A_79] : memref<5x1024xf32, #tpu.memory_space<vmem>>, vector<1x1024xf32>
        tpu.vector_store %arg11[%swap3A_78, %swap3A_79], %get3A_77 {strides = array<i32>} : memref<5x1024xf32, #tpu.memory_space<vmem>>, vector<1x1024xf32>,
        %swap3A_81 = arith.constant 0 : index
        %swap3A_82 = arith.constant 0 : index
        %swap3A_83 = arith.constant 0 : index
        %swap3A_84 = vector.load %arg9[%swap3A_81, %swap3A_82, %swap3A_83] : memref<1x1x1024xf32, #tpu.memory_space<vmem>>, vector<1x1x1024xf32>
        %swap3A_85 = vector.shape_cast %swap3A_84 : vector<1x1x1024xf32> to vector<1x1024xf32>
        %swap3A_86 = vector.shape_cast %get3A_77 : vector<1x1024xf32> to vector<1x1x1024xf32>
        tpu.vector_store %arg9[%swap3A_81, %swap3A_82, %swap3A_83], %swap3A_86 {strides = array<i32>} : memref<1x1x1024xf32, #tpu.memory_space<vmem>>, vector<1x1x1024xf32>,
        %get3A_87 = arith.constant 0 : index
        %get3A_88 = arith.constant 0 : index
        %get3A_89 = arith.constant 0 : index
        %get3A_90 = vector.load %arg4[%get3A_87, %get3A_88, %get3A_89] : memref<1x1x1024xf32, #tpu.memory_space<vmem>>, vector<1x1x1024xf32>
        %get3A_91 = vector.shape_cast %get3A_90 : vector<1x1x1024xf32> to vector<1x1024xf32>
        %mul3A_92 = arith.mulf %get3A_77, %get3A_91 : vector<1x1024xf32>
        %swap3A_93 = arith.constant 0 : index
        %swap3A_94 = arith.constant 0 : index
        %swap3A_95 = arith.constant 0 : index
        %swap3A_96 = vector.load %arg10[%swap3A_93, %swap3A_94, %swap3A_95] : memref<1x1x1024xf32, #tpu.memory_space<vmem>>, vector<1x1x1024xf32>
        %swap3A_97 = vector.shape_cast %swap3A_96 : vector<1x1x1024xf32> to vector<1x1024xf32>
        %swap3A_98 = vector.shape_cast %mul3A_92 : vector<1x1024xf32> to vector<1x1x1024xf32>
        tpu.vector_store %arg10[%swap3A_93, %swap3A_94, %swap3A_95], %swap3A_98 {strides = array<i32>} : memref<1x1x1024xf32, #tpu.memory_space<vmem>>, vector<1x1x1024xf32>,
      } else {
      }
    } else {
    }
    return
  }
  func.func @transform_0(%arg0: i32, %arg1: i32) -> (i32, i32, i32) {
    %min3A = arith.minsi %arg0, %arg1 : i32
    %c0_i32 = arith.constant 0 : i32
    %c0_i32_0 = arith.constant 0 : i32
    %c0_i32_1 = arith.constant 0 : i32
    return %min3A, %c0_i32, %c0_i32_0 : i32, i32, i32
  }
  func.func @transform_1(%arg0: i32, %arg1: i32) -> (i32, i32, i32) {
    %c0_i32 = arith.constant 0 : i32
    %c0_i32_0 = arith.constant 0 : i32
    %c0_i32_1 = arith.constant 0 : i32
    return %arg0, %c0_i32, %c0_i32_0 : i32, i32, i32
  }
  func.func @transform_2(%arg0: i32, %arg1: i32) -> (i32, i32, i32) {
    %c0_i32 = arith.constant 0 : i32
    %c0_i32_0 = arith.constant 0 : i32
    %c0_i32_1 = arith.constant 0 : i32
    return %arg0, %c0_i32, %c0_i32_0 : i32, i32, i32
  }
  func.func @transform_3(%arg0: i32, %arg1: i32) -> (i32, i32) {
    %min3A = arith.minsi %arg0, %arg1 : i32
    %c0_i32 = arith.constant 0 : i32
    %c0_i32_0 = arith.constant 0 : i32
    return %min3A, %c0_i32 : i32, i32
  }
  func.func @transform_4(%arg0: i32, %arg1: i32) -> (i32, i32, i32) {
    %c0_i32 = arith.constant 0 : i32
    %c0_i32_0 = arith.constant 0 : i32
    %c0_i32_1 = arith.constant 0 : i32
    return %arg0, %c0_i32, %c0_i32_0 : i32, i32, i32
  }
  func.func @transform_5(%arg0: i32, %arg1: i32) -> (i32, i32) {
    %min3A = arith.minsi %arg0, %arg1 : i32
    %c0_i32 = arith.constant 0 : i32
    %c0_i32_0 = arith.constant 0 : i32
    return %min3A, %c0_i32 : i32, i32
  }
  func.func @transform_6(%arg0: i32, %arg1: i32) -> (i32, i32) {
    %c0_i32 = arith.constant 0 : i32
    %c0_i32_0 = arith.constant 0 : i32
    return %arg0, %c0_i32 : i32, i32
  }
  func.func @transform_7(%arg0: i32, %arg1: i32) -> (i32, i32, i32) {
    %c0_i32 = arith.constant 0 : i32
    %c0_i32_0 = arith.constant 0 : i32
    %c0_i32_1 = arith.constant 0 : i32
    return %arg0, %c0_i32, %c0_i32_0 : i32, i32, i32
  }
  func.func @transform_8(%arg0: i32, %arg1: i32) -> (i32, i32, i32) {
    %c0_i32 = arith.constant 0 : i32
    %c0_i32_0 = arith.constant 0 : i32
    %c0_i32_1 = arith.constant 0 : i32
    return %arg0, %c0_i32, %c0_i32_0 : i32, i32, i32
  }
}

</mosaic_0001>

<sc_bundles>
// kernel: kernel.6.cloned.1.call-start
scs
__scs_entry_jumppad:
0x0: {  	(pc) =	sbr.rel $0x88, $3  }
0x1: {  	(tag) =	ssettag $0x0;
	lr =	simm.s32 $0x1  }
0x2: {  	[smem:$0x3F9E] =	sst lr;
	_ =	strace $0xD0000000  }
0x3: {  	_ = 	snop  }
0x4: {  	_ = 	snop  }
0x5: {  	_ = 	snop  }
0x6: {  	_ = 	snop  }
0x7: {  	_ = 	snop  }
__scs_overlays_trampoline_lowered:
0x8: {  	[smem:$0x3FAD] =	sst s0  }
0x9: {  	[smem:$0x3FAE] =	sst s1  }
0xa: {  	[smem:$0x3FAF] =	sst s2  }
0xb: {  	[smem:$0x3FB0] =	sst s3  }
0xc: {  	[smem:$0x3FB1] =	sst s4  }
0xd: {  	[smem:$0x3FB2] =	sst s5  }
0xe: {  	[smem:$0x3FB3] =	sst s6  }
0xf: {  	[smem:$0x3FB4] =	sst s7  }
0x10: {  	[smem:$0x3FB5] =	sst s8  }
0x11: {  	[smem:$0x3FB6] =	sst s9;
	s0 =	simm.s32 @!p0 $0x0  }
0x12: {  	s1 =	sld [smem:$0x3F9C];
	s0 =	simm.s32 @p0 $0x1  }
0x13: {  	[smem:$0x3FB7] =	sst s0;
	s0 =	simm.s32 @!p1 $0x0  }
0x14: {  	s2 =	sld [smem:$0x3F9B];
	s0 =	simm.s32 @p1 $0x1  }
0x15: {  	[smem:$0x3FB8] =	sst s0;
	s0 =	simm.s32 @!p2 $0x0  }
0x16: {  	s3 =	sld [smem:$0x3FDB];
	s0 =	simm.s32 @p2 $0x1  }
0x17: {  	s4 =	simm.s32 $0x1BF5;
	[smem:$0x3FBA] =	sst s0  }
0x18: {  	s0 =	sld [smem:$0x3F9D];
	_ =	swait.ge [sflag:s4], $0x0  }
0x19: {  	s7 =	sld [smem:$0x3F9E]  }
0x1a: {  	s8 =	sadd.s32 $0xFFFFE003, lr  }
0x1b: {  	s9 =	sadd.s32 $0xFFFFFEF7, lr;
	s5 =	simm.s32 $0xFFFFFFFF;
	p2 =	slt.u32 s8, $0xFFFFF086  }
0x1c: {  	p1 =	slt.u32 s9, $0xF7A;
	s5 =	simm.s32 @!p2 $0x0  }
0x1d: {  	s5 =	simm.s32 @p1 $0x1;
	p0 =	seq.s32 s7, s2  }
0x1e: {  	s7 =	smul.u32 @!p0 $0xF7A, s2;
	p2 =	seq.s32 @!p0 s5, $0x0  }
0x1f: {  	s9 =	smul.u32 $0xF7A, s1;
	s8 =	simm.s32 @!p0 $0x1BF5;
	p2 =	por !p2, p0  }
0x20: {  	[sflag:s8] =	ssyncset.s32 @!p0 $0xFFFFF086;
	s6 =	sadd.s32 @!p0 s3, s7;
	s7 =	simm.s32 @!p0 $0x108  }
0x21: {  	s3 =	sadd.s32 s3, s9;
	s6 =	sadd.s32 @!p0 $0x88, s6;
	s7 =	simm.s32 @p2 $0x1082  }
0x22: {  	[simem:s7], [sflag:s8] =	dma.local @!p0 [hbm:s6], $0xF7A  }
0x23: {  	s9 =	sor.u32 $0xD0000000, s2;
	s6 =	simm.s32 $0x108;
	_ =	swait.ge @!p0 [sflag:s8], $0x0  }
0x24: {  	s3 =	sadd.s32 $0x88, s3;
	s6 =	simm.s32 @!p1 $0x1082;
	[sflag:s4] =	ssyncset.s32 $0xFFFFF086  }
0x25: {  	[simem:s6], [sflag:s4] =	dma.local [hbm:s3], $0xF7A  }
0x26: {  	[smem:$0x3F9E] =	sst s1;
	(tag) =	ssettag s2;
	_ =	strace s9  }
0x27: {  	s1 =	sld [smem:$0x3FAE]  }
0x28: {  	s2 =	sld [smem:$0x3FAF]  }
0x29: {  	s4 =	sld [smem:$0x3FB1]  }
0x2a: {  	p0 =	seq.s32 s5, $0x0;
	s5 =	sld [smem:$0x3FB2]  }
0x2b: {  	s6 =	sld [smem:$0x3FB3]  }
0x2c: {  	s7 =	sld [smem:$0x3FB4]  }
0x2d: {  	s3 =	simm.s32 $0x108;
	s8 =	sld [smem:$0x3FB5]  }
0x2e: {  	s3 =	simm.s32 @!p0 $0x1082;
	s9 =	sld [smem:$0x3FB6]  }
0x2f: {  	lr =	sadd.s32 s0, s3;
	s0 =	sld [smem:$0x3FAD]  }
0x30: {  	s3 =	sld [smem:$0x3FB0]  }
0x31: {  	[smem:$0x3FB9] =	sst s10  }
0x32: {  	s10 =	sld [smem:$0x3FB7];
	_ =	sdelay $0x3  }
0x33: {  	p0 =	seq.s32 s10, $0x1;
	s10 =	sld [smem:$0x3FB9];
	_ =	sdelay $0x3  }
0x34: {  	[smem:$0x3FB9] =	sst s10  }
0x35: {  	s10 =	sld [smem:$0x3FB8];
	_ =	sdelay $0x3  }
0x36: {  	p1 =	seq.s32 s10, $0x1;
	s10 =	sld [smem:$0x3FB9];
	_ =	sdelay $0x3  }
0x37: {  	[smem:$0x3FB9] =	sst s10  }
0x38: {  	s10 =	sld [smem:$0x3FBA]  }
0x39: {  	_ = 	snop;
	(pc) =	sbr.ind lr, $3  }
0x3a: {  	_ = 	snop  }
0x3b: {  	_ = 	snop  }
0x3c: {  	p2 =	seq.s32 s10, $0x1;
	s10 =	sld [smem:$0x3FB9]  }
0x3d: {  	_ =	shalt  }
0x3e: {  	_ =	shalt  }
0x3f: {  	_ =	shalt  }
0x40: {  	_ =	shalt  }
0x41: {  	_ =	shalt  }
0x42: {  	_ =	shalt  }
0x43: {  	_ =	shalt  }
0x44: {  	_ =	shalt  }
0x45: {  	_ =	shalt  }
0x46: {  	_ =	shalt  }
0x47: {  	_ =	shalt  }
0x48: {  	_ =	shalt  }
0x49: {  	_ =	shalt  }
0x4a: {  	_ =	shalt  }
0x4b: {  	_ =	shalt  }
0x4c: {  	_ =	shalt  }
0x4d: {  	_ =	shalt  }
0x4e: {  	_ =	shalt  }
0x4f: {  	_ =	shalt  }
0x50: {  	_ =	shalt  }
0x51: {  	_ =	shalt  }
0x52: {  	_ =	shalt  }
0x53: {  	_ =	shalt  }
0x54: {  	_ =	shalt  }
0x55: {  	_ =	shalt  }
0x56: {  	_ =	shalt  }
0x57: {  	_ =	shalt  }
0x58: {  	_ =	shalt  }
0x59: {  	_ =	shalt  }
0x5a: {  	_ =	shalt  }
0x5b: {  	_ =	shalt  }
0x5c: {  	_ =	shalt  }
0x5d: {  	_ =	shalt  }
0x5e: {  	_ =	shalt  }
0x5f: {  	_ =	shalt  }
0x60: {  	_ =	shalt  }
0x61: {  	_ =	shalt  }
0x62: {  	_ =	shalt  }
0x63: {  	_ =	shalt  }
0x64: {  	_ =	shalt  }
0x65: {  	_ =	shalt  }
0x66: {  	_ =	shalt  }
0x67: {  	_ =	shalt  }
0x68: {  	_ =	shalt  }
0x69: {  	_ =	shalt  }
0x6a: {  	_ =	shalt  }
0x6b: {  	_ =	shalt  }
0x6c: {  	_ =	shalt  }
0x6d: {  	_ =	shalt  }
0x6e: {  	_ =	shalt  }
0x6f: {  	_ =	shalt  }
0x70: {  	_ =	shalt  }
0x71: {  	_ =	shalt  }
0x72: {  	_ =	shalt  }
0x73: {  	_ =	shalt  }
0x74: {  	_ =	shalt  }
0x75: {  	_ =	shalt  }
0x76: {  	_ =	shalt  }
0x77: {  	_ =	shalt  }
0x78: {  	_ =	shalt  }
0x79: {  	_ =	shalt  }
0x7a: {  	_ =	shalt  }
0x7b: {  	_ =	shalt  }
0x7c: {  	_ =	shalt  }
0x7d: {  	_ =	shalt  }
0x7e: {  	_ =	shalt  }
0x7f: {  	_ =	shalt  }
0x80: {  	_ =	shalt  }
0x81: {  	_ =	shalt  }
0x82: {  	_ =	shalt  }
0x83: {  	_ =	shalt  }
0x84: {  	_ =	shalt  }
0x85: {  	_ =	shalt  }
0x86: {  	_ =	shalt  }
0x87: {  	_ =	shalt  }
.Lfunc_end0:
.L_simem_size_0:
called_computation_lowered:
.L_overlay_start_0:
0x88: {  	s2 =	sld [smem:$0x3FD9]  }
0x89: {  	s3 =	sld [smem:$0x3FFE];
	_ =	sdelay $0x1  }
0x8a: {  	s1 =	srdreg.scid  }
0x8b: {  	s0 =	sand.u32 $0x1, s1  }
0x8c: {  	s14 =	sshll.u32 s0, $0xA;
	s2 =	sadd.s32 s3, s2  }
0x8d: {  	s2 =	sadd.s32 s2, s14  }
0x8e: {  	[smem:$0x3FC5] =	sst s2  }
0x8f: {  	_ = 	snop  }
0x90: {  	s2 =	sld [smem:$0x3FD0];
	_ =	sdelay $0x2  }
0x91: {  	s15 =	simm.s32 $0xA;
	s4 =	simm.s32 $0x10  }
0x92: {  	[smem:s4], [sflag:s15] =	dma.local [hbm:s2], $0x1  }
0x93: {  	_ =	swait.eq [sflag:s15], $0x1  }
0x94: {  	[sflag:s15] =	ssyncset.done $0x0  }
0x95: {  	[sflag:s15] =	ssyncadd.s32 $0xFFFFFFFF  }
0x96: {  	s16 =	sld [smem:$0x12];
	(tm) =	ssettm $0x1  }
0x97: {  	s17 =	sld [smem:$0x3FFB];
	_ =	sdelay $0x3  }
0x98: {  	_ =	strace s17  }
0x99: {  	s3 =	sld [smem:$0x3FFC];
	_ =	sdelay $0x3  }
0x9a: {  	_ =	strace s3  }
0x9b: {  	s3 =	sld [smem:$0x3FFD];
	_ =	sdelay $0x3  }
0x9c: {  	_ =	strace s3  }
0x9d: {  	_ =	strace $0x8FFFFFFF  }
0x9e: {  	s18 =	sld [smem:$0x3FDB];
	_ =	sdelay $0x1  }
0x9f: {  	s19 =	simm.s32 $_scs_section_size  }
0xa0: {  	s5 =	simm.s32 $_size__tile_overlayer_lowered;
	s6 =	simm.s32 $_tile_overlayer_lowered  }
0xa1: {  	s22 =	simm.s32 $0x1BFF;
	s21 =	sshll.u32 s6, $0x1;
	s3 =	sadd.s32 s19, s18  }
0xa2: {  	s7 =	simm.s32 $0x0;
	s20 =	sshll.u32 s5, $0x1;
	s5 =	sadd.s32 s21, s3  }
0xa3: {  	[timem:s7], [sflag:s22] =	dma.local [hbm:s5], s20  }
0xa4: {  	_ =	swait.ge [sflag:s22], s20  }
0xa5: {  	s4 =	ssub.s32 $0x0, s20;
	[sflag:s22] =	ssyncset.done $0x0  }
0xa6: {  	[sflag:s22] =	ssyncadd.s32 s4;
	_ =	sdelay $0x1  }
0xa7: {  	s23 =	simm.s32 $0x1B8B  }
0xa8: {  	_ =	swait.ge [sflag:s23], $0x1  }
0xa9: {  	[sflag:s23] =	ssyncset.done $0x0  }
0xaa: {  	s25 =	simm.s32 $0x1B8E;
	s24 =	sld [smem:$0x3FFE];
	[sflag:s23] =	ssyncadd.s32 $0xFFFFFFFF  }
0xab: {  	s26 =	simm.s32 $execute0_lowered;
	[smem:$0x3FD2] =	sst s25  }
0xac: {  	s5 =	sshll.u32 s26, $0x1;
	_ =	strace $0x80000046;
	[dreg:$0x1] =	wrdreg $0xFFFFFFFF  }
0xad: {  	s28 =	simm.s32 $_size_execute0_lowered;
	s3 =	sadd.s32 s3, s5;
	[dreg:$0x0] =	wrdreg $0x0  }
0xae: {  	s5 =	sshll.u32 s28, $0x1;
	[dreg:$0x2] =	wrdreg s3  }
0xaf: {  	[dreg:$0x3] =	wrdreg s5  }
0xb0: {  	[dreg:$0x4] =	wrdreg $0xC0  }
0xb1: {  	_ =	task [dreg:s7], $0x5FFFF  }
0xb2: {  	[dreg:$0x1] =	wrdreg $0xFFFFFFFF  }
0xb3: {  	[dreg:$0x0] =	wrdreg $0x60  }
0xb4: {  	[dreg:$0x2] =	wrdreg s24  }
0xb5: {  	[dreg:$0x3] =	wrdreg s16  }
0xb6: {  	[dreg:$0x4] =	wrdreg $0x9  }
0xb7: {  	_ =	task.clear_ibuf [dreg:s7], $0x5FFFF;
	_ =	strace $0x90000046  }
0xb8: {  	s29 =	simm.s32 $0x9;
	_ =	strace $0x80000048  }
0xb9: {  	_ =	swait.ge [sflag:s29], $0x1  }
0xba: {  	[sflag:s29] =	ssyncadd.s32 $0xFFFFFFFF  }
0xbb: {  	_ =	strace $0x90000048  }
0xbc: {  	_ =	sfence  }
0xbd: {  	s30 =	sld [smem:$0x0];
	_ =	sdelay $0x2  }
0xbe: {  	s31 =	sshll.u32 s1, $0xD;
	s1 =	sshrl.u32 s1, $0x2  }
0xbf: {  	s3 =	sand.u32 $0x4000, s31;
	s1 =	sadd.s32 s1, s30  }
0xc0: {  	s0 =	sor.u32 s3, s0;
	s1 =	sshll.u32 s1, $0x11  }
0xc1: {  	s0 =	sor.u32 s1, s0  }
0xc2: {  	s0 =	sadd.s32 $0x8F2B, s0  }
0xc3: {  	[sflag:s0] =	ssyncadd.remote.s32 $0x1  }
0xc4: {  	_ =	sfence.sel $0xFFFF  }
0xc5: {  	[dreg:$0x0] =	wrdreg $0xFFFFFFFF;
	(pc) =	sbr.abs _section_cstart, $3  }
0xc6: {  	[dreg:$0x1] =	wrdreg $0xFFFFFFFF  }
0xc7: {  	_ =	task.clear_ibuf [dreg:s7], $0x2FFFF;
	_ =	strace $0x9FFFFFFF  }
0xc8: {  	(tm) =	ssettm $0x7FFFFFFF  }
0xc9: {  	_ =	shalt  }
tec
execute0_lowered:
.L_overlay_start_1:
0x0: {  	(tag) =	ssettag $0x1  }
0x1: {  	s0 =	rddreg [dreg:$0x0]  }
0x2: {  	s1 =	rddreg [dreg:$0x1];
	s3 =	srdreg.scid  }
0x3: {  	s4 =	stileid.u32;
	s2 =	simm.s32 $0x0;
	s19 =	simm.s32 $0x1  }
0x4: {  	s28 =	simm.s32 $0x3080;
	s29 =	simm.s32 $0x3880;
	s30 =	simm.s32 $0x3C80  }
0x5: {  	s31 =	simm.s32 $0x4480;
	s12 =	simm.s32 $0x6080;
	s13 =	simm.s32 $0x6480  }
0x6: {  	s14 =	simm.s32 $0x6C80;
	s15 =	simm.s32 $0x7480;
	s16 =	simm.s32 $0x7880  }
0x7: {  	s17 =	simm.s32 $0x8080;
	s18 =	simm.s32 $0x8880;
	s3 =	sand.u32 $0x1, s3  }
0x8: {  	s4 =	sshll.u32 s4, $0x1;
	[smem:$0x7FF] =	sst s2;
	s7 =	sadd.s32 $0x600, s0  }
0x9: {  	s8 =	sadd.s32 $0x64600, s0;
	s20 =	sadd.s32 $0x78600, s0;
	s5 =	sor.u32 s3, s4  }
0xa: {  	_ =	strace $0x80000047;
	s9 =	ssub.s32 $0x2, s3;
	s6 =	smul.u32 $0xA0, s5  }
0xb: {  	s3 =	sadd.s32 $0x8C600, s0;
	s10 =	sshrl.u32 s9, $0x1;
	s5 =	smul.u32 $0xA00, s5  }
0xc: {  	[dreg:$0x9] =	wrdreg s20;
	s4 =	simm.s32 $0x8C80;
	s9 =	ssub.s32 s9, s10  }
0xd: {  	s11 =	sshrl.u32 s6, $0x3;
	s6 =	sadd.s32 $0x50, s6;
	s5 =	sadd.s32 s8, s5  }
0xe: {  	s21 =	smul.u32 $0x280, s11;
	s11 =	sadd.s32 s1, s11;
	s22 =	sshrl.u32 s6, $0x3  }
0xf: {  	[dreg:$0x5] =	wrdreg s5;
	s5 =	sadd.s32 $0x8C700, s0;
	s25 =	sshll.u32 s6, $0x4  }
0x10: {  	s6 =	sadd.s32 $0x8C800, s0;
	s0 =	simm.s32 $0xC880;
	[dreg:$0x3] =	wrdreg s11  }
0x11: {  	s23 =	smul.u32 $0x280, s22;
	s1 =	sadd.s32 s1, s22;
	s26 =	sadd.s32 s8, s25  }
0x12: {  	s8 =	simm.s32 $0x2;
	s22 =	simm.s32 $0x1080;
	s25 =	simm.s32 $0x2480  }
0x13: {  	s11 =	simm.s32 $0x5880;
	s10 =	sadd.s32 s7, s21;
	[dreg:$0x6] =	wrdreg s1  }
0x14: {  	v2 =	vlaneseq.u32;
	[dreg:$0x8] =	wrdreg s26;
	s21 =	simm.s32 $0x880;
	s26 =	simm.s32 $0x2880  }
0x15: {  	vm0 =	vmmov $0xffff;
	vm1 =	vmmov $0xff;
	v1 =	vshrl.u32 v2, $0x3;
	[dreg:$0x4] =	wrdreg s10;
	s24 =	sadd.s32 s7, s23;
	s7 =	smax.u32 s9, $0x1  }
0x16: {  	v0 =	vand.u32 $0x7, v2;
	v2 =	vor.u32 $0x8, v2;
	v1 =	vmul.u32 $0x8, v1;
	s23 =	simm.s32 $0x1480;
	[dreg:$0x7] =	wrdreg s24;
	s24 =	simm.s32 $0x1C80  }
.LBB2_1:
0x17: {  	s20 =	rddreg [dreg:$0x3]  }
0x18: {  	[tilespmem:s2], [sflag:$0x2] =	stream.linear.gather [hbm4b:s20+s2], $0x50, $0x38;
	[tilespmem:$0xF080] =	vst v63  }
0x19: {  	_ =	swait.ge [sflag:s8], $0x50  }
0x1a: {  	[sflag:s8] =	ssyncset.done $0x0  }
0x1b: {  	s10 =	simm.s32 $0x80;
	s1 =	rddreg [dreg:$0x4];
	[sflag:s8] =	ssyncadd.s32 $0xFFFFFFB0  }
0x1c: {  	[tilespmem:s10], [sflag:$0x2] =	stream.linear.gather [hbm4b:s1+s2], $0xC800, $0x38;
	[tilespmem:$0xF080] =	vst v63  }
0x1d: {  	_ =	swait.ge [sflag:s8], $0xC800  }
0x1e: {  	[sflag:s8] =	ssyncset.done $0x0  }
0x1f: {  	s9 =	rddreg [dreg:$0x5];
	[sflag:s8] =	ssyncadd.s32 $0xFFFF3800  }
0x20: {  	[tilespmem:s0], [sflag:$0x2] =	stream.linear.gather [hbm4b:s9+s2], $0x2800, $0x38;
	[tilespmem:$0xF080] =	vst v63  }
0x21: {  	_ =	swait.ge [sflag:s8], $0x2800  }
0x22: {  	[sflag:s8] =	ssyncset.done $0x0  }
0x23: {  	[sflag:s8] =	ssyncadd.s32 $0xFFFFD800  }
0x24: {  	v3 =	vld [tilespmem:$0x0];
	_ =	sdelay $0x4  }
0x25: {  	v4 =	vshrl.u32 v3, $0x3  }
0x26: {  	v4 =	vmul.u32 $0x28, v4  }
0x27: {  	v3 =	vand.u32 $0x7, v3  }
0x28: {  	v3 =	vor.u32 v3, v4  }
0x29: {  	v4 =	vperm.xlane v3, v0;
	_ =	sdelay $0x1  }
0x2a: {  	v4 =	vadd.s32 v1, v4;
	_ =	sdelay $0x3  }
0x2b: {  	v3 =	vperm.xlane v3, v2  }
0x2c: {  	[hbm4b:s3+s2] =	stream.indirect_vreg.scatter [tilespmem:s10], [sflag:$0x1], $0x80, v4, vm0, $0xb8;
	[tilespmem:$0xF080] =	vst v63  }
0x2d: {  	v3 =	vadd.s32 v1, v3  }
0x2e: {  	[hbm4b:s5+s2] =	stream.indirect_vreg.scatter [tilespmem:s21], [sflag:$0x1], $0x80, v4, vm0, $0xb8;
	[tilespmem:$0xF080] =	vst v63  }
0x2f: {  	_ = 	snop  }
0x30: {  	[hbm4b:s6+s2] =	stream.indirect_vreg.scatter [tilespmem:s22], [sflag:$0x1], $0x80, v4, vm1, $0xb8;
	[tilespmem:$0xF080] =	vst v63  }
0x31: {  	_ = 	snop  }
0x32: {  	[hbm4b:s3+s2] =	stream.indirect_vreg.scatter [tilespmem:s23], [sflag:$0x1], $0x80, v3, vm0, $0xb8;
	[tilespmem:$0xF080] =	vst v63  }
0x33: {  	_ = 	snop  }
0x34: {  	[hbm4b:s5+s2] =	stream.indirect_vreg.scatter [tilespmem:s24], [sflag:$0x1], $0x80, v3, vm0, $0xb8;
	[tilespmem:$0xF080] =	vst v63  }
0x35: {  	_ = 	snop  }
0x36: {  	[hbm4b:s6+s2] =	stream.indirect_vreg.scatter [tilespmem:s25], [sflag:$0x1], $0x80, v3, vm1, $0xb8;
	[tilespmem:$0xF080] =	vst v63  }
0x37: {  	v3 =	vld [tilespmem:$0x10];
	_ =	sdelay $0x4  }
0x38: {  	v55 =	vshrl.u32 v3, $0x3  }
0x39: {  	v4 =	vmul.u32 $0x28, v55  }
0x3a: {  	v3 =	vand.u32 $0x7, v3  }
0x3b: {  	v3 =	vor.u32 v3, v4  }
0x3c: {  	v4 =	vperm.xlane v3, v0;
	_ =	sdelay $0x1  }
0x3d: {  	v4 =	vadd.s32 v1, v4;
	_ =	sdelay $0x3  }
0x3e: {  	v3 =	vperm.xlane v3, v2  }
0x3f: {  	[hbm4b:s3+s2] =	stream.indirect_vreg.scatter [tilespmem:s26], [sflag:$0x1], $0x80, v4, vm0, $0xb8;
	[tilespmem:$0xF080] =	vst v63  }
0x40: {  	v3 =	vadd.s32 v1, v3  }
0x41: {  	[hbm4b:s5+s2] =	stream.indirect_vreg.scatter [tilespmem:s28], [sflag:$0x1], $0x80, v4, vm0, $0xb8;
	[tilespmem:$0xF080] =	vst v63  }
0x42: {  	_ = 	snop  }
0x43: {  	[hbm4b:s6+s2] =	stream.indirect_vreg.scatter [tilespmem:s29], [sflag:$0x1], $0x80, v4, vm1, $0xb8;
	[tilespmem:$0xF080] =	vst v63  }
0x44: {  	_ = 	snop  }
0x45: {  	[hbm4b:s3+s2] =	stream.indirect_vreg.scatter [tilespmem:s30], [sflag:$0x1], $0x80, v3, vm0, $0xb8;
	[tilespmem:$0xF080] =	vst v63  }
0x46: {  	_ = 	snop  }
0x47: {  	[hbm4b:s5+s2] =	stream.indirect_vreg.scatter [tilespmem:s31], [sflag:$0x1], $0x80, v3, vm0, $0xb8;
	[tilespmem:$0xF080] =	vst v63  }
0x48: {  	s1 =	simm.s32 $0x4C80  }
0x49: {  	[hbm4b:s6+s2] =	stream.indirect_vreg.scatter [tilespmem:s1], [sflag:$0x1], $0x80, v3, vm1, $0xb8;
	[tilespmem:$0xF080] =	vst v63  }
0x4a: {  	v3 =	vld [tilespmem:$0x20];
	_ =	sdelay $0x4  }
0x4b: {  	v56 =	vshrl.u32 v3, $0x3  }
0x4c: {  	v4 =	vmul.u32 $0x28, v56  }
0x4d: {  	v3 =	vand.u32 $0x7, v3  }
0x4e: {  	v3 =	vor.u32 v3, v4  }
0x4f: {  	v4 =	vperm.xlane v3, v0;
	_ =	sdelay $0x1  }
0x50: {  	v4 =	vadd.s32 v1, v4;
	_ =	sdelay $0x3  }
0x51: {  	s1 =	simm.s32 $0x5080;
	v3 =	vperm.xlane v3, v2  }
0x52: {  	[hbm4b:s3+s2] =	stream.indirect_vreg.scatter [tilespmem:s1], [sflag:$0x1], $0x80, v4, vm0, $0xb8;
	[tilespmem:$0xF080] =	vst v63  }
0x53: {  	v3 =	vadd.s32 v1, v3  }
0x54: {  	[hbm4b:s5+s2] =	stream.indirect_vreg.scatter [tilespmem:s11], [sflag:$0x1], $0x80, v4, vm0, $0xb8;
	[tilespmem:$0xF080] =	vst v63  }
0x55: {  	_ = 	snop  }
0x56: {  	[hbm4b:s6+s2] =	stream.indirect_vreg.scatter [tilespmem:s12], [sflag:$0x1], $0x80, v4, vm1, $0xb8;
	[tilespmem:$0xF080] =	vst v63  }
0x57: {  	_ = 	snop  }
0x58: {  	[hbm4b:s3+s2] =	stream.indirect_vreg.scatter [tilespmem:s13], [sflag:$0x1], $0x80, v3, vm0, $0xb8;
	[tilespmem:$0xF080] =	vst v63  }
0x59: {  	_ = 	snop  }
0x5a: {  	[hbm4b:s5+s2] =	stream.indirect_vreg.scatter [tilespmem:s14], [sflag:$0x1], $0x80, v3, vm0, $0xb8;
	[tilespmem:$0xF080] =	vst v63  }
0x5b: {  	_ = 	snop  }
0x5c: {  	[hbm4b:s6+s2] =	stream.indirect_vreg.scatter [tilespmem:s15], [sflag:$0x1], $0x80, v3, vm1, $0xb8;
	[tilespmem:$0xF080] =	vst v63  }
0x5d: {  	v3 =	vld [tilespmem:$0x30];
	_ =	sdelay $0x4  }
0x5e: {  	v57 =	vshrl.u32 v3, $0x3  }
0x5f: {  	v4 =	vmul.u32 $0x28, v57  }
0x60: {  	v3 =	vand.u32 $0x7, v3  }
0x61: {  	v3 =	vor.u32 v3, v4  }
0x62: {  	v4 =	vperm.xlane v3, v0;
	_ =	sdelay $0x1  }
0x63: {  	v4 =	vadd.s32 v1, v4;
	_ =	sdelay $0x3  }
0x64: {  	v3 =	vperm.xlane v3, v2  }
0x65: {  	[hbm4b:s3+s2] =	stream.indirect_vreg.scatter [tilespmem:s16], [sflag:$0x1], $0x80, v4, vm0, $0xb8;
	[tilespmem:$0xF080] =	vst v63  }
0x66: {  	v3 =	vadd.s32 v1, v3  }
0x67: {  	[hbm4b:s5+s2] =	stream.indirect_vreg.scatter [tilespmem:s17], [sflag:$0x1], $0x80, v4, vm0, $0xb8;
	[tilespmem:$0xF080] =	vst v63  }
0x68: {  	_ = 	snop  }
0x69: {  	[hbm4b:s6+s2] =	stream.indirect_vreg.scatter [tilespmem:s18], [sflag:$0x1], $0x80, v4, vm1, $0xb8;
	[tilespmem:$0xF080] =	vst v63  }
0x6a: {  	_ = 	snop  }
0x6b: {  	[hbm4b:s3+s2] =	stream.indirect_vreg.scatter [tilespmem:s4], [sflag:$0x1], $0x80, v3, vm0, $0xb8;
	[tilespmem:$0xF080] =	vst v63  }
0x6c: {  	s9 =	simm.s32 $0x9480  }
0x6d: {  	[hbm4b:s5+s2] =	stream.indirect_vreg.scatter [tilespmem:s9], [sflag:$0x1], $0x80, v3, vm0, $0xb8;
	[tilespmem:$0xF080] =	vst v63  }
0x6e: {  	s20 =	simm.s32 $0x9C80  }
0x6f: {  	[hbm4b:s6+s2] =	stream.indirect_vreg.scatter [tilespmem:s20], [sflag:$0x1], $0x80, v3, vm1, $0xb8;
	[tilespmem:$0xF080] =	vst v63  }
0x70: {  	v3 =	vld [tilespmem:$0x40];
	_ =	sdelay $0x4  }
0x71: {  	v58 =	vshrl.u32 v3, $0x3  }
0x72: {  	v4 =	vmul.u32 $0x28, v58  }
0x73: {  	v3 =	vand.u32 $0x7, v3  }
0x74: {  	v3 =	vor.u32 v3, v4  }
0x75: {  	v4 =	vperm.xlane v3, v0;
	_ =	sdelay $0x1  }
0x76: {  	v4 =	vadd.s32 v1, v4;
	_ =	sdelay $0x3  }
0x77: {  	s20 =	simm.s32 $0xA080;
	v3 =	vperm.xlane v3, v2  }
0x78: {  	[hbm4b:s3+s2] =	stream.indirect_vreg.scatter [tilespmem:s20], [sflag:$0x1], $0x80, v4, vm0, $0xb8;
	[tilespmem:$0xF080] =	vst v63  }
0x79: {  	v3 =	vadd.s32 v1, v3;
	s20 =	simm.s32 $0xA880  }
0x7a: {  	[hbm4b:s5+s2] =	stream.indirect_vreg.scatter [tilespmem:s20], [sflag:$0x1], $0x80, v4, vm0, $0xb8;
	[tilespmem:$0xF080] =	vst v63  }
0x7b: {  	s20 =	simm.s32 $0xB080  }
0x7c: {  	[hbm4b:s6+s2] =	stream.indirect_vreg.scatter [tilespmem:s20], [sflag:$0x1], $0x80, v4, vm1, $0xb8;
	[tilespmem:$0xF080] =	vst v63  }
0x7d: {  	s20 =	simm.s32 $0xB480  }
0x7e: {  	[hbm4b:s3+s2] =	stream.indirect_vreg.scatter [tilespmem:s20], [sflag:$0x1], $0x80, v3, vm0, $0xb8;
	[tilespmem:$0xF080] =	vst v63  }
0x7f: {  	s20 =	simm.s32 $0xBC80  }
0x80: {  	[hbm4b:s5+s2] =	stream.indirect_vreg.scatter [tilespmem:s20], [sflag:$0x1], $0x80, v3, vm0, $0xb8;
	[tilespmem:$0xF080] =	vst v63  }
0x81: {  	s20 =	simm.s32 $0xC480  }
0x82: {  	[hbm4b:s6+s2] =	stream.indirect_vreg.scatter [tilespmem:s20], [sflag:$0x1], $0x80, v3, vm1, $0xb8;
	[tilespmem:$0xF080] =	vst v63  }
0x83: {  	s9 =	rddreg [dreg:$0x9];
	s20 =	simm.s32 $0x50  }
0x84: {  	[hbm4b:s9+s20] =	stream.indirect.scatter [tilespmem:s0], [sflag:$0x1], $0x80, s2, s20, $0xb8;
	[tilespmem:$0xF080] =	vst v63  }
0x85: {  	_ =	swait.ge [sflag:s19], $0xC800  }
0x86: {  	[sflag:s19] =	ssyncset.done $0x0  }
0x87: {  	[sflag:s19] =	ssyncadd.s32 $0xFFFF3800  }
0x88: {  	_ =	swait.ge [sflag:s19], $0x2800  }
0x89: {  	[sflag:s19] =	ssyncset.done $0x0  }
0x8a: {  	s20 =	rddreg [dreg:$0x6];
	[sflag:s19] =	ssyncadd.s32 $0xFFFFD800  }
0x8b: {  	[tilespmem:s2], [sflag:$0x2] =	stream.linear.gather [hbm4b:s20+s2], $0x50, $0x38;
	[tilespmem:$0xF080] =	vst v63  }
0x8c: {  	_ =	swait.ge [sflag:s8], $0x50  }
0x8d: {  	[sflag:s8] =	ssyncset.done $0x0  }
0x8e: {  	s20 =	rddreg [dreg:$0x7];
	[sflag:s8] =	ssyncadd.s32 $0xFFFFFFB0  }
0x8f: {  	[tilespmem:s10], [sflag:$0x2] =	stream.linear.gather [hbm4b:s20+s2], $0xC800, $0x38;
	[tilespmem:$0xF080] =	vst v63  }
0x90: {  	_ =	swait.ge [sflag:s8], $0xC800  }
0x91: {  	[sflag:s8] =	ssyncset.done $0x0  }
0x92: {  	s20 =	rddreg [dreg:$0x8];
	[sflag:s8] =	ssyncadd.s32 $0xFFFF3800  }
0x93: {  	[tilespmem:s0], [sflag:$0x2] =	stream.linear.gather [hbm4b:s20+s2], $0x2800, $0x38;
	[tilespmem:$0xF080] =	vst v63  }
0x94: {  	_ =	swait.ge [sflag:s8], $0x2800  }
0x95: {  	[sflag:s8] =	ssyncset.done $0x0  }
0x96: {  	[sflag:s8] =	ssyncadd.s32 $0xFFFFD800  }
0x97: {  	v3 =	vld [tilespmem:$0x0];
	_ =	sdelay $0x4  }
0x98: {  	v59 =	vshrl.u32 v3, $0x3  }
0x99: {  	v4 =	vmul.u32 $0x28, v59  }
0x9a: {  	v3 =	vand.u32 $0x7, v3  }
0x9b: {  	v3 =	vor.u32 v3, v4  }
0x9c: {  	v4 =	vperm.xlane v3, v0;
	_ =	sdelay $0x1  }
0x9d: {  	v4 =	vadd.s32 v1, v4;
	_ =	sdelay $0x3  }
0x9e: {  	v3 =	vperm.xlane v3, v2  }
0x9f: {  	[hbm4b:s3+s2] =	stream.indirect_vreg.scatter [tilespmem:s10], [sflag:$0x1], $0x80, v4, vm0, $0xb8;
	[tilespmem:$0xF080] =	vst v63  }
0xa0: {  	v3 =	vadd.s32 v1, v3  }
0xa1: {  	[hbm4b:s5+s2] =	stream.indirect_vreg.scatter [tilespmem:s21], [sflag:$0x1], $0x80, v4, vm0, $0xb8;
	[tilespmem:$0xF080] =	vst v63  }
0xa2: {  	_ = 	snop  }
0xa3: {  	[hbm4b:s6+s2] =	stream.indirect_vreg.scatter [tilespmem:s22], [sflag:$0x1], $0x80, v4, vm1, $0xb8;
	[tilespmem:$0xF080] =	vst v63  }
0xa4: {  	_ = 	snop  }
0xa5: {  	[hbm4b:s3+s2] =	stream.indirect_vreg.scatter [tilespmem:s23], [sflag:$0x1], $0x80, v3, vm0, $0xb8;
	[tilespmem:$0xF080] =	vst v63  }
0xa6: {  	_ = 	snop  }
0xa7: {  	[hbm4b:s5+s2] =	stream.indirect_vreg.scatter [tilespmem:s24], [sflag:$0x1], $0x80, v3, vm0, $0xb8;
	[tilespmem:$0xF080] =	vst v63  }
0xa8: {  	_ = 	snop  }
0xa9: {  	[hbm4b:s6+s2] =	stream.indirect_vreg.scatter [tilespmem:s25], [sflag:$0x1], $0x80, v3, vm1, $0xb8;
	[tilespmem:$0xF080] =	vst v63  }
0xaa: {  	v3 =	vld [tilespmem:$0x10];
	_ =	sdelay $0x4  }
0xab: {  	v60 =	vshrl.u32 v3, $0x3  }
0xac: {  	v4 =	vmul.u32 $0x28, v60  }
0xad: {  	v3 =	vand.u32 $0x7, v3  }
0xae: {  	v3 =	vor.u32 v3, v4  }
0xaf: {  	v4 =	vperm.xlane v3, v0;
	_ =	sdelay $0x1  }
0xb0: {  	v4 =	vadd.s32 v1, v4;
	_ =	sdelay $0x3  }
0xb1: {  	v3 =	vperm.xlane v3, v2  }
0xb2: {  	[hbm4b:s3+s2] =	stream.indirect_vreg.scatter [tilespmem:s26], [sflag:$0x1], $0x80, v4, vm0, $0xb8;
	[tilespmem:$0xF080] =	vst v63  }
0xb3: {  	v3 =	vadd.s32 v1, v3  }
0xb4: {  	[hbm4b:s5+s2] =	stream.indirect_vreg.scatter [tilespmem:s28], [sflag:$0x1], $0x80, v4, vm0, $0xb8;
	[tilespmem:$0xF080] =	vst v63  }
0xb5: {  	_ = 	snop  }
0xb6: {  	[hbm4b:s6+s2] =	stream.indirect_vreg.scatter [tilespmem:s29], [sflag:$0x1], $0x80, v4, vm1, $0xb8;
	[tilespmem:$0xF080] =	vst v63  }
0xb7: {  	_ = 	snop  }
0xb8: {  	[hbm4b:s3+s2] =	stream.indirect_vreg.scatter [tilespmem:s30], [sflag:$0x1], $0x80, v3, vm0, $0xb8;
	[tilespmem:$0xF080] =	vst v63  }
0xb9: {  	_ = 	snop  }
0xba: {  	[hbm4b:s5+s2] =	stream.indirect_vreg.scatter [tilespmem:s31], [sflag:$0x1], $0x80, v3, vm0, $0xb8;
	[tilespmem:$0xF080] =	vst v63  }
0xbb: {  	s20 =	simm.s32 $0x4C80  }
0xbc: {  	[hbm4b:s6+s2] =	stream.indirect_vreg.scatter [tilespmem:s20], [sflag:$0x1], $0x80, v3, vm1, $0xb8;
	[tilespmem:$0xF080] =	vst v63  }
0xbd: {  	v3 =	vld [tilespmem:$0x20];
	_ =	sdelay $0x4  }
0xbe: {  	v61 =	vshrl.u32 v3, $0x3  }
0xbf: {  	v4 =	vmul.u32 $0x28, v61  }
0xc0: {  	v3 =	vand.u32 $0x7, v3  }
0xc1: {  	v3 =	vor.u32 v3, v4  }
0xc2: {  	v4 =	vperm.xlane v3, v0;
	_ =	sdelay $0x1  }
0xc3: {  	v4 =	vadd.s32 v1, v4;
	_ =	sdelay $0x3  }
0xc4: {  	v3 =	vperm.xlane v3, v2  }
0xc5: {  	[hbm4b:s3+s2] =	stream.indirect_vreg.scatter [tilespmem:s1], [sflag:$0x1], $0x80, v4, vm0, $0xb8;
	[tilespmem:$0xF080] =	vst v63  }
0xc6: {  	v3 =	vadd.s32 v1, v3  }
0xc7: {  	[hbm4b:s5+s2] =	stream.indirect_vreg.scatter [tilespmem:s11], [sflag:$0x1], $0x80, v4, vm0, $0xb8;
	[tilespmem:$0xF080] =	vst v63  }
0xc8: {  	_ = 	snop  }
0xc9: {  	[hbm4b:s6+s2] =	stream.indirect_vreg.scatter [tilespmem:s12], [sflag:$0x1], $0x80, v4, vm1, $0xb8;
	[tilespmem:$0xF080] =	vst v63  }
0xca: {  	_ = 	snop  }
0xcb: {  	[hbm4b:s3+s2] =	stream.indirect_vreg.scatter [tilespmem:s13], [sflag:$0x1], $0x80, v3, vm0, $0xb8;
	[tilespmem:$0xF080] =	vst v63  }
0xcc: {  	_ = 	snop  }
0xcd: {  	[hbm4b:s5+s2] =	stream.indirect_vreg.scatter [tilespmem:s14], [sflag:$0x1], $0x80, v3, vm0, $0xb8;
	[tilespmem:$0xF080] =	vst v63  }
0xce: {  	_ = 	snop  }
0xcf: {  	[hbm4b:s6+s2] =	stream.indirect_vreg.scatter [tilespmem:s15], [sflag:$0x1], $0x80, v3, vm1, $0xb8;
	[tilespmem:$0xF080] =	vst v63  }
0xd0: {  	v3 =	vld [tilespmem:$0x30];
	_ =	sdelay $0x4  }
0xd1: {  	v62 =	vshrl.u32 v3, $0x3  }
0xd2: {  	v4 =	vmul.u32 $0x28, v62  }
0xd3: {  	v3 =	vand.u32 $0x7, v3  }
0xd4: {  	v3 =	vor.u32 v3, v4  }
0xd5: {  	v4 =	vperm.xlane v3, v0;
	_ =	sdelay $0x1  }
0xd6: {  	v4 =	vadd.s32 v1, v4;
	_ =	sdelay $0x3  }
0xd7: {  	v3 =	vperm.xlane v3, v2  }
0xd8: {  	[hbm4b:s3+s2] =	stream.indirect_vreg.scatter [tilespmem:s16], [sflag:$0x1], $0x80, v4, vm0, $0xb8;
	[tilespmem:$0xF080] =	vst v63  }
0xd9: {  	v3 =	vadd.s32 v1, v3  }
0xda: {  	[hbm4b:s5+s2] =	stream.indirect_vreg.scatter [tilespmem:s17], [sflag:$0x1], $0x80, v4, vm0, $0xb8;
	[tilespmem:$0xF080] =	vst v63  }
0xdb: {  	_ = 	snop  }
0xdc: {  	[hbm4b:s6+s2] =	stream.indirect_vreg.scatter [tilespmem:s18], [sflag:$0x1], $0x80, v4, vm1, $0xb8;
	[tilespmem:$0xF080] =	vst v63  }
0xdd: {  	_ = 	snop  }
0xde: {  	[hbm4b:s3+s2] =	stream.indirect_vreg.scatter [tilespmem:s4], [sflag:$0x1], $0x80, v3, vm0, $0xb8;
	[tilespmem:$0xF080] =	vst v63  }
0xdf: {  	s20 =	simm.s32 $0x9480  }
0xe0: {  	[hbm4b:s5+s2] =	stream.indirect_vreg.scatter [tilespmem:s20], [sflag:$0x1], $0x80, v3, vm0, $0xb8;
	[tilespmem:$0xF080] =	vst v63  }
0xe1: {  	s10 =	simm.s32 $0x9C80  }
0xe2: {  	[hbm4b:s6+s2] =	stream.indirect_vreg.scatter [tilespmem:s10], [sflag:$0x1], $0x80, v3, vm1, $0xb8;
	[tilespmem:$0xF080] =	vst v63  }
0xe3: {  	v3 =	vld [tilespmem:$0x40];
	_ =	sdelay $0x4  }
0xe4: {  	v63 =	vshrl.u32 v3, $0x3  }
0xe5: {  	v4 =	vmul.u32 $0x28, v63  }
0xe6: {  	v3 =	vand.u32 $0x7, v3  }
0xe7: {  	v3 =	vor.u32 v3, v4  }
0xe8: {  	v4 =	vperm.xlane v3, v0;
	_ =	sdelay $0x1  }
0xe9: {  	v4 =	vadd.s32 v1, v4;
	_ =	sdelay $0x3  }
0xea: {  	s20 =	simm.s32 $0xA080;
	v3 =	vperm.xlane v3, v2  }
0xeb: {  	[hbm4b:s3+s2] =	stream.indirect_vreg.scatter [tilespmem:s20], [sflag:$0x1], $0x80, v4, vm0, $0xb8;
	[tilespmem:$0xF080] =	vst v63  }
0xec: {  	s10 =	simm.s32 $0xA880;
	v3 =	vadd.s32 v1, v3  }
0xed: {  	[hbm4b:s5+s2] =	stream.indirect_vreg.scatter [tilespmem:s10], [sflag:$0x1], $0x80, v4, vm0, $0xb8;
	[tilespmem:$0xF080] =	vst v63  }
0xee: {  	s20 =	simm.s32 $0xB080  }
0xef: {  	[hbm4b:s6+s2] =	stream.indirect_vreg.scatter [tilespmem:s20], [sflag:$0x1], $0x80, v4, vm1, $0xb8;
	[tilespmem:$0xF080] =	vst v63  }
0xf0: {  	s10 =	simm.s32 $0xB480  }
0xf1: {  	[hbm4b:s3+s2] =	stream.indirect_vreg.scatter [tilespmem:s10], [sflag:$0x1], $0x80, v3, vm0, $0xb8;
	[tilespmem:$0xF080] =	vst v63  }
0xf2: {  	s20 =	simm.s32 $0xBC80  }
0xf3: {  	[hbm4b:s5+s2] =	stream.indirect_vreg.scatter [tilespmem:s20], [sflag:$0x1], $0x80, v3, vm0, $0xb8;
	[tilespmem:$0xF080] =	vst v63  }
0xf4: {  	s10 =	simm.s32 $0xC480  }
0xf5: {  	[hbm4b:s6+s2] =	stream.indirect_vreg.scatter [tilespmem:s10], [sflag:$0x1], $0x80, v3, vm1, $0xb8;
	[tilespmem:$0xF080] =	vst v63  }
0xf6: {  	s20 =	simm.s32 $0x50  }
0xf7: {  	[hbm4b:s9+s20] =	stream.indirect.scatter [tilespmem:s0], [sflag:$0x1], $0x80, s2, s20, $0xb8;
	[tilespmem:$0xF080] =	vst v63  }
0xf8: {  	p0 =	sne.s32 s7, $0x1;
	_ =	swait.ge [sflag:s19], $0xC800  }
.Ltmp0:
0xf9: {  	[sflag:s19] =	ssyncset.done $0x0;
	(pc) =	sbr.rel @p0 .LBB2_1-.Ltmp0, $4  }
0xfa: {  	[sflag:s19] =	ssyncadd.s32 $0xFFFF3800  }
0xfb: {  	_ =	swait.ge [sflag:s19], $0x2800  }
0xfc: {  	[sflag:s19] =	ssyncset.done $0x0  }
0xfd: {  	s7 =	sadd.s32 $0xFFFFFFFF, s7;
	[sflag:s19] =	ssyncadd.s32 $0xFFFFD800  }
0xfe: {  	_ =	sfence.sel $0x180000  }
0xff: {  	[bflag:$0x0] =	sbarrier.arrive $0xFFFF  }
0x100: {  	_ =	strace $0x90000047  }
0x101: {  	s0 =	stileid.u32;
	[bflag:$0x2] =	sbarrier.arrive $0xFFFF  }
0x102: {  	p0 =	sne.s32 s0, $0x0;
	s0 =	rddreg [dreg:$0x2]  }
0x103: {  	s0 =	sadd.s32 @!p0 $0x100000, s0  }
0x104: {  	[sflag:s0] =	ssyncadd.tile.s32 @!p0 $0x1;
	_ =	shalt  }
.Lfunc_end2:
_tile_overlayer_lowered:
.L_overlay_start_2:
0x105: {  	(tag) =	ssettag $0x2  }
0x106: {  	s0 =	rddreg [dreg:$0x0];
	s2 =	stileid.u32  }
0x107: {  	s1 =	rddreg [dreg:$0x1];
	p0 =	sne.s32 s2, $0x0  }
0x108: {  	s3 =	rddreg [dreg:$0x2];
	[bflag:$0x3] =	sbarrier.arrive $0xFFFF;
	s2 =	simm.s32 @!p0 $0x1C02  }
0x109: {  	[timem:s3], [sflag:s2] =	dma.local @!p0 [hbm:s0], s1  }
0x10a: {  	s0 =	simm.s32 @!p0 $0x2  }
0x10b: {  	_ =	swait.ge @!p0 [sflag:s0], s1  }
0x10c: {  	s1 =	ssub.s32 @!p0 $0x0, s1;
	[sflag:s0] =	ssyncset.done @!p0 $0x0  }
0x10d: {  	[sflag:s0] =	ssyncadd.s32 @!p0 s1  }
0x10e: {  	[bflag:$0x3] =	sbarrier.arrive $0xFFFF  }
0x10f: {  	_ =	shalt  }

</sc_bundles>
